<compile_context>
chip_gen: v7x
topology: tpu7x:2x2x1
jax: 0.10.2.dev20260603
libtpu: 0.0.44.dev20260713+nightly
codegen_flags: <defaults>
</compile_context>

<pallas_src>
import functools

import jax
import jax.numpy as jnp
from jax import lax
from jax.experimental import pallas as pl
from jax.experimental.pallas import tpu as pltpu
from jax.experimental.pallas import tpu_sc as plsc

B, N, D = 4096, 50, 128
R = B * N
NW = 32
RW = R // NW
C = 160
NCH = RW // C
NBUF = 2
PF = 2
G = C // 16


def _sc_masked_add(pe2d, idx, table_t):
    mesh = plsc.VectorSubcoreMesh(core_axis_name="c", subcore_axis_name="s")

    @functools.partial(
        pl.kernel,
        mesh=mesh,
        out_type=jax.ShapeDtypeStruct((R, D), jnp.float32),
        compiler_params=pltpu.CompilerParams(
            needs_layout_passes=False, use_tc_tiling_on_sc=True),
        scratch_types=(
            [pltpu.VMEM((C, D), jnp.float32) for _ in range(2 * NBUF)]
            + [pltpu.VMEM((C,), jnp.int32) for _ in range(NBUF)]
            + [pltpu.VMEM((8, D), jnp.float32)]
            + [pltpu.SemaphoreType.DMA] * (3 * NBUF + 1)
        ),
    )
    def run(pe_hbm, idx_hbm, tab_hbm, out_hbm, *scratch):
        ibufs = scratch[0:NBUF]
        obufs = scratch[NBUF:2 * NBUF]
        lbufs = scratch[2 * NBUF:3 * NBUF]
        tbuf = scratch[3 * NBUF]
        sems = scratch[3 * NBUF + 1:]
        sem_pe = sems[0:NBUF]
        sem_ix = sems[NBUF:2 * NBUF]
        sem_out = sems[2 * NBUF:3 * NBUF]
        sem_tab = sems[3 * NBUF]

        wid = lax.axis_index("s") * 2 + lax.axis_index("c")
        row0 = wid * RW

        pltpu.async_copy(tab_hbm, tbuf, sem_tab).wait()

        def start_in(ch, b):
            pltpu.async_copy(
                pe_hbm.at[pl.ds(row0 + ch * C, C)], ibufs[b], sem_pe[b])
            pltpu.async_copy(
                idx_hbm.at[pl.ds(row0 + ch * C, C)], lbufs[b], sem_ix[b])

        def wait_in(b):
            pltpu.make_async_copy(
                pe_hbm.at[pl.ds(0, C)], ibufs[b], sem_pe[b]).wait()
            pltpu.make_async_copy(
                idx_hbm.at[pl.ds(0, C)], lbufs[b], sem_ix[b]).wait()

        def start_out(ch, b):
            pltpu.async_copy(
                obufs[b], out_hbm.at[pl.ds(row0 + ch * C, C)], sem_out[b])

        def wait_out(b):
            pltpu.make_async_copy(
                obufs[b], out_hbm.at[pl.ds(0, C)], sem_out[b]).wait()

        iota = lax.iota(jnp.int32, 16)
        zf = jnp.zeros((16,), jnp.float32)
        rows = [iota + 16 * g for g in range(G)]

        def compute(b):
            src = ibufs[b]
            dst = obufs[b]
            lbuf = lbufs[b]
            idxg = [lbuf[pl.ds(16 * g, 16)] for g in range(G)]
            mg = [idxg[g] > 0 for g in range(G)]

            def col(j, carry):
                colv = (jnp.full((16,), j, jnp.int32) + iota) & (D - 1)
                pes = [plsc.load_gather(src, [rows[g], colv])
                       for g in range(G)]
                ts = [plsc.load_gather(tbuf, [idxg[g], colv])
                      for g in range(G)]
                os = [jnp.where(mg[g], pes[g], zf) + ts[g]
                      for g in range(G)]
                for g in range(G):
                    plsc.store_scatter(dst, [rows[g], colv], os[g])
                return carry

            lax.fori_loop(0, D, col, 0)

        for b in range(PF):
            start_in(b, b)

        nit = NCH // NBUF

        def body(gn, carry):
            for b in range(NBUF):
                ch = gn * NBUF + b
                wait_in(b)

                @pl.when(gn >= 1)
                def _():
                    wait_out(b)

                compute(b)
                start_out(ch, b)

                b2 = (b + PF) % NBUF

                @pl.when(ch + PF < NCH)
                def _():
                    start_in(ch + PF, b2)
            return carry

        lax.fori_loop(0, nit, body, 0)
        for b in range(NBUF):
            wait_out(b)

    return run(pe2d, idx, table_t)


def kernel(point_embedding_pe, point_labels, not_a_point_w, point_w):
    table = jnp.concatenate([not_a_point_w, point_w], axis=0).astype(jnp.float32)
    table_t = jnp.pad(table, ((0, 3), (0, 0)))
    idx = (point_labels.astype(jnp.int32) + 1).reshape(R)
    pe2d = point_embedding_pe.reshape(R, D)
    out = _sc_masked_add(pe2d, idx, table_t)
    return out.reshape(B, N, D)

# --- scband reference (transcript-rebuilt; emitter-appended) ---
"""Pipeline reference for scband-part1-fix-a-44848048505341 (READ-ONLY COPY).

The authoritative reference and input builder live on the scoring server;
editing this copy changes nothing except your own understanding.
"""

import jax, jax.numpy as jnp
import numpy as np

B, N, D = 4096, 50, 128

def setup_inputs(seed: int = 0) -> dict:
    key = jax.random.key(seed)
    k1, k2, k3, k4 = jax.random.split(key, 4)
    point_embedding_pe = jax.random.normal(k1, (B, N, D), dtype=jnp.float32)
    # labels in {-1, 0, 1, 2, 3} like SAM prompt encoder
    point_labels = jax.random.randint(k2, (B, N), -1, 4, dtype=jnp.int64 if jax.config.jax_enable_x64 else jnp.int32)
    # learned parameters: not_a_point_embed.weight is [1, D]; point_embeddings[i].weight is [1, D] each -> stacked [4, D]
    not_a_point_w = jax.random.normal(k3, (1, D), dtype=jnp.float32) * 0.02
    point_w = jax.random.normal(k4, (4, D), dtype=jnp.float32) * 0.02
    return {"point_embedding_pe": point_embedding_pe, "point_labels": point_labels,
            "not_a_point_w": not_a_point_w, "point_w": point_w}

def reference(point_embedding_pe, point_labels, not_a_point_w, point_w):
    # point_embedding = pe.clone(); point_embedding[labels == -1] = 0.0
    m_neg = (point_labels == -1)[..., None]
    out = jnp.where(m_neg, 0.0, point_embedding_pe)
    # point_embedding[labels == -1] += not_a_point_embed.weight
    out = out + m_neg.astype(point_embedding_pe.dtype) * not_a_point_w[0]
    # point_embedding[labels == i] += point_embeddings[i].weight for i in 0..3
    for i in range(4):
        m_i = (point_labels == i)[..., None].astype(point_embedding_pe.dtype)
        out = out + m_i * point_w[i]
    return out

if __name__ == "__main__":
    import jax
    _d = setup_inputs()
    print(jax.jit(kernel)(*tuple(_d.values())))

</pallas_src>

<mosaic_0001>
#map = affine_map<(d0, d1) -> (0, 0)>
#map1 = affine_map<(d0, d1) -> (0)>
module attributes {stable_mosaic.version = 14 : i64} {
  func.func @run(%arg0: i32, %arg1: i32, %arg2: memref<204800x128xf32, #tpu.memory_space<hbm>>, %arg3: memref<204800xi32, #tpu.memory_space<hbm>>, %arg4: memref<8x128xf32, #tpu.memory_space<hbm>>, %arg5: memref<204800x128xf32, #tpu.memory_space<hbm>>, %arg6: memref<160x128xf32, #tpu.memory_space<vmem>>, %arg7: memref<160x128xf32, #tpu.memory_space<vmem>>, %arg8: memref<160x128xf32, #tpu.memory_space<vmem>>, %arg9: memref<160x128xf32, #tpu.memory_space<vmem>>, %arg10: memref<160xi32, #tpu.memory_space<vmem>>, %arg11: memref<160xi32, #tpu.memory_space<vmem>>, %arg12: memref<8x128xf32, #tpu.memory_space<vmem>>, %arg13: memref<!tpu.dma_semaphore, #tpu.memory_space<semaphore_mem>>, %arg14: memref<!tpu.dma_semaphore, #tpu.memory_space<semaphore_mem>>, %arg15: memref<!tpu.dma_semaphore, #tpu.memory_space<semaphore_mem>>, %arg16: memref<!tpu.dma_semaphore, #tpu.memory_space<semaphore_mem>>, %arg17: memref<!tpu.dma_semaphore, #tpu.memory_space<semaphore_mem>>, %arg18: memref<!tpu.dma_semaphore, #tpu.memory_space<semaphore_mem>>, %arg19: memref<!tpu.dma_semaphore, #tpu.memory_space<semaphore_mem>>) attributes {dimension_semantics = [#tpu.dimension_semantics<core_parallel>, #tpu.dimension_semantics<subcore_parallel>], iteration_bounds = array<i64: 2, 16>, scalar_prefetch = 0 : i64, scratch_operands = 14 : i64, tpu.core_type = #tpu.core_type<sc_vector_subcore>, window_params = [{transform_indices = #map}, {transform_indices = #map1}, {transform_indices = #map}, {transform_indices = #map}]} {
    %mul3A = arith.constant 2 : i32
    %mul3A_0 = arith.muli %arg1, %mul3A : i32
    %add3A = arith.addi %mul3A_0, %arg0 : i32
    %mul3A_1 = arith.constant 6400 : i32
    %mul3A_2 = arith.muli %add3A, %mul3A_1 : i32
    tpu.enqueue_dma source(%arg4 : memref<8x128xf32, #tpu.memory_space<hbm>>) target(%arg12 : memref<8x128xf32, #tpu.memory_space<vmem>>) target_semaphore(%arg19 : memref<!tpu.dma_semaphore, #tpu.memory_space<semaphore_mem>>)
    tpu.wait_dma2 semaphore(%arg19 : memref<!tpu.dma_semaphore, #tpu.memory_space<semaphore_mem>>) src(%arg4 : memref<8x128xf32, #tpu.memory_space<hbm>>) dst(%arg12 : memref<8x128xf32, #tpu.memory_space<vmem>>)
    %iota3A = tpu.iota {dimensions = array<i32: 0>} : vector<16xi32>
    %broadcast_in_dim3A = arith.constant 0.000000e+00 : f32
    %broadcast_in_dim3A_3 = vector.broadcast %broadcast_in_dim3A : f32 to vector<16xf32>
    %add3A_4 = arith.constant 0 : i32
    %add3A_5 = vector.broadcast %add3A_4 : i32 to vector<16xi32>
    %add3A_6 = arith.addi %iota3A, %add3A_5 : vector<16xi32>
    %add3A_7 = arith.constant 16 : i32
    %add3A_8 = vector.broadcast %add3A_7 : i32 to vector<16xi32>
    %add3A_9 = arith.addi %iota3A, %add3A_8 : vector<16xi32>
    %add3A_10 = arith.constant 32 : i32
    %add3A_11 = vector.broadcast %add3A_10 : i32 to vector<16xi32>
    %add3A_12 = arith.addi %iota3A, %add3A_11 : vector<16xi32>
    %add3A_13 = arith.constant 48 : i32
    %add3A_14 = vector.broadcast %add3A_13 : i32 to vector<16xi32>
    %add3A_15 = arith.addi %iota3A, %add3A_14 : vector<16xi32>
    %add3A_16 = arith.constant 64 : i32
    %add3A_17 = vector.broadcast %add3A_16 : i32 to vector<16xi32>
    %add3A_18 = arith.addi %iota3A, %add3A_17 : vector<16xi32>
    %add3A_19 = arith.constant 80 : i32
    %add3A_20 = vector.broadcast %add3A_19 : i32 to vector<16xi32>
    %add3A_21 = arith.addi %iota3A, %add3A_20 : vector<16xi32>
    %add3A_22 = arith.constant 96 : i32
    %add3A_23 = vector.broadcast %add3A_22 : i32 to vector<16xi32>
    %add3A_24 = arith.addi %iota3A, %add3A_23 : vector<16xi32>
    %add3A_25 = arith.constant 112 : i32
    %add3A_26 = vector.broadcast %add3A_25 : i32 to vector<16xi32>
    %add3A_27 = arith.addi %iota3A, %add3A_26 : vector<16xi32>
    %add3A_28 = arith.constant 128 : i32
    %add3A_29 = vector.broadcast %add3A_28 : i32 to vector<16xi32>
    %add3A_30 = arith.addi %iota3A, %add3A_29 : vector<16xi32>
    %add3A_31 = arith.constant 144 : i32
    %add3A_32 = vector.broadcast %add3A_31 : i32 to vector<16xi32>
    %add3A_33 = arith.addi %iota3A, %add3A_32 : vector<16xi32>
    %add3A_34 = arith.constant 0 : i32
    %add3A_35 = arith.addi %mul3A_2, %add3A_34 : i32
    %dma_start3A = arith.constant 0 : i32
    %dma_start3A_36 = tpu.memref_slice %arg2[%add3A_35, %dma_start3A] : memref<204800x128xf32, #tpu.memory_space<hbm>> -> memref<160x128xf32, #tpu.memory_space<hbm>>
    %dma_start3A_37 = arith.constant 0 : i32
    %dma_start3A_38 = tpu.memref_slice %arg2[%add3A_35, %dma_start3A_37] : memref<204800x128xf32, #tpu.memory_space<hbm>> -> memref<160x128xf32, #tpu.memory_space<hbm>>
    tpu.enqueue_dma source(%dma_start3A_38 : memref<160x128xf32, #tpu.memory_space<hbm>>) target(%arg6 : memref<160x128xf32, #tpu.memory_space<vmem>>) target_semaphore(%arg13 : memref<!tpu.dma_semaphore, #tpu.memory_space<semaphore_mem>>)
    %add3A_39 = arith.constant 0 : i32
    %add3A_40 = arith.addi %mul3A_2, %add3A_39 : i32
    %dma_start3A_41 = tpu.memref_slice %arg3[%add3A_40] : memref<204800xi32, #tpu.memory_space<hbm>> -> memref<160xi32, #tpu.memory_space<hbm>>
    %dma_start3A_42 = tpu.memref_slice %arg3[%add3A_40] : memref<204800xi32, #tpu.memory_space<hbm>> -> memref<160xi32, #tpu.memory_space<hbm>>
    tpu.enqueue_dma source(%dma_start3A_42 : memref<160xi32, #tpu.memory_space<hbm>>) target(%arg10 : memref<160xi32, #tpu.memory_space<vmem>>) target_semaphore(%arg15 : memref<!tpu.dma_semaphore, #tpu.memory_space<semaphore_mem>>)
    %add3A_43 = arith.constant 160 : i32
    %add3A_44 = arith.addi %mul3A_2, %add3A_43 : i32
    %dma_start3A_45 = arith.constant 0 : i32
    %dma_start3A_46 = tpu.memref_slice %arg2[%add3A_44, %dma_start3A_45] : memref<204800x128xf32, #tpu.memory_space<hbm>> -> memref<160x128xf32, #tpu.memory_space<hbm>>
    %dma_start3A_47 = arith.constant 0 : i32
    %dma_start3A_48 = tpu.memref_slice %arg2[%add3A_44, %dma_start3A_47] : memref<204800x128xf32, #tpu.memory_space<hbm>> -> memref<160x128xf32, #tpu.memory_space<hbm>>
    tpu.enqueue_dma source(%dma_start3A_48 : memref<160x128xf32, #tpu.memory_space<hbm>>) target(%arg7 : memref<160x128xf32, #tpu.memory_space<vmem>>) target_semaphore(%arg14 : memref<!tpu.dma_semaphore, #tpu.memory_space<semaphore_mem>>)
    %add3A_49 = arith.constant 160 : i32
    %add3A_50 = arith.addi %mul3A_2, %add3A_49 : i32
    %dma_start3A_51 = tpu.memref_slice %arg3[%add3A_50] : memref<204800xi32, #tpu.memory_space<hbm>> -> memref<160xi32, #tpu.memory_space<hbm>>
    %dma_start3A_52 = tpu.memref_slice %arg3[%add3A_50] : memref<204800xi32, #tpu.memory_space<hbm>> -> memref<160xi32, #tpu.memory_space<hbm>>
    tpu.enqueue_dma source(%dma_start3A_52 : memref<160xi32, #tpu.memory_space<hbm>>) target(%arg11 : memref<160xi32, #tpu.memory_space<vmem>>) target_semaphore(%arg16 : memref<!tpu.dma_semaphore, #tpu.memory_space<semaphore_mem>>)
    %scan3A = arith.constant 0 : i32
    %scan3A_53 = arith.constant 0 : i32
    %scan3A_54 = arith.constant 20 : i32
    %scan3A_55 = arith.addi %scan3A_53, %scan3A_54 : i32
    %scan3A_56 = arith.constant 1 : i32
    scf.for %scan3A_69 = %scan3A_53 to %scan3A_55 step %scan3A_56  : i32 {
      %mul3A_70 = arith.constant 2 : i32
      %mul3A_71 = arith.muli %scan3A_69, %mul3A_70 : i32
      %add3A_72 = arith.constant 0 : i32
      %add3A_73 = arith.addi %mul3A_71, %add3A_72 : i32
      %dma_wait3A_74 = arith.constant 0 : i32
      %dma_wait3A_75 = arith.constant 0 : i32
      %dma_wait3A_76 = tpu.memref_slice %arg2[%dma_wait3A_74, %dma_wait3A_75] : memref<204800x128xf32, #tpu.memory_space<hbm>> -> memref<160x128xf32, #tpu.memory_space<hbm>>
      %dma_wait3A_77 = arith.constant 0 : i32
      %dma_wait3A_78 = arith.constant 0 : i32
      %dma_wait3A_79 = tpu.memref_slice %arg2[%dma_wait3A_77, %dma_wait3A_78] : memref<204800x128xf32, #tpu.memory_space<hbm>> -> memref<160x128xf32, #tpu.memory_space<hbm>>
      tpu.wait_dma2 semaphore(%arg13 : memref<!tpu.dma_semaphore, #tpu.memory_space<semaphore_mem>>) src(%dma_wait3A_79 : memref<160x128xf32, #tpu.memory_space<hbm>>) dst(%arg6 : memref<160x128xf32, #tpu.memory_space<vmem>>)
      %dma_wait3A_80 = arith.constant 0 : i32
      %dma_wait3A_81 = tpu.memref_slice %arg3[%dma_wait3A_80] : memref<204800xi32, #tpu.memory_space<hbm>> -> memref<160xi32, #tpu.memory_space<hbm>>
      %dma_wait3A_82 = arith.constant 0 : i32
      %dma_wait3A_83 = tpu.memref_slice %arg3[%dma_wait3A_82] : memref<204800xi32, #tpu.memory_space<hbm>> -> memref<160xi32, #tpu.memory_space<hbm>>
      tpu.wait_dma2 semaphore(%arg15 : memref<!tpu.dma_semaphore, #tpu.memory_space<semaphore_mem>>) src(%dma_wait3A_83 : memref<160xi32, #tpu.memory_space<hbm>>) dst(%arg10 : memref<160xi32, #tpu.memory_space<vmem>>)
      %ge3A = arith.constant 1 : i32
      %ge3A_84 = arith.cmpi sge, %scan3A_69, %ge3A : i32
      %convert_element_type3A = arith.extui %ge3A_84 : i1 to i32
      %cond3A = arith.constant 0 : i32
      %cond3A_85 = arith.cmpi ne, %convert_element_type3A, %cond3A : i32
      scf.if %cond3A_85 {
        %dma_wait3A_242 = arith.constant 0 : i32
        %dma_wait3A_243 = arith.constant 0 : i32
        %dma_wait3A_244 = tpu.memref_slice %arg5[%dma_wait3A_242, %dma_wait3A_243] : memref<204800x128xf32, #tpu.memory_space<hbm>> -> memref<160x128xf32, #tpu.memory_space<hbm>>
        %dma_wait3A_245 = arith.constant 0 : i32
        %dma_wait3A_246 = arith.constant 0 : i32
        %dma_wait3A_247 = tpu.memref_slice %arg5[%dma_wait3A_245, %dma_wait3A_246] : memref<204800x128xf32, #tpu.memory_space<hbm>> -> memref<160x128xf32, #tpu.memory_space<hbm>>
        tpu.wait_dma2 semaphore(%arg17 : memref<!tpu.dma_semaphore, #tpu.memory_space<semaphore_mem>>) src(%arg8 : memref<160x128xf32, #tpu.memory_space<vmem>>) dst(%dma_wait3A_247 : memref<160x128xf32, #tpu.memory_space<hbm>>)
      } else {
      }
      %get3A = arith.constant 0 : index
      %get3A_86 = tpu.vector_load %arg10[%get3A] {strides = array<i32>} : memref<160xi32, #tpu.memory_space<vmem>>, vector<16xi32>,
      %get3A_87 = arith.constant 16 : index
      %get3A_88 = tpu.vector_load %arg10[%get3A_87] {strides = array<i32>} : memref<160xi32, #tpu.memory_space<vmem>>, vector<16xi32>,
      %get3A_89 = arith.constant 32 : index
      %get3A_90 = tpu.vector_load %arg10[%get3A_89] {strides = array<i32>} : memref<160xi32, #tpu.memory_space<vmem>>, vector<16xi32>,
      %get3A_91 = arith.constant 48 : index
      %get3A_92 = tpu.vector_load %arg10[%get3A_91] {strides = array<i32>} : memref<160xi32, #tpu.memory_space<vmem>>, vector<16xi32>,
      %get3A_93 = arith.constant 64 : index
      %get3A_94 = tpu.vector_load %arg10[%get3A_93] {strides = array<i32>} : memref<160xi32, #tpu.memory_space<vmem>>, vector<16xi32>,
      %get3A_95 = arith.constant 80 : index
      %get3A_96 = tpu.vector_load %arg10[%get3A_95] {strides = array<i32>} : memref<160xi32, #tpu.memory_space<vmem>>, vector<16xi32>,
      %get3A_97 = arith.constant 96 : index
      %get3A_98 = tpu.vector_load %arg10[%get3A_97] {strides = array<i32>} : memref<160xi32, #tpu.memory_space<vmem>>, vector<16xi32>,
      %get3A_99 = arith.constant 112 : index
      %get3A_100 = tpu.vector_load %arg10[%get3A_99] {strides = array<i32>} : memref<160xi32, #tpu.memory_space<vmem>>, vector<16xi32>,
      %get3A_101 = arith.constant 128 : index
      %get3A_102 = tpu.vector_load %arg10[%get3A_101] {strides = array<i32>} : memref<160xi32, #tpu.memory_space<vmem>>, vector<16xi32>,
      %get3A_103 = arith.constant 144 : index
      %get3A_104 = tpu.vector_load %arg10[%get3A_103] {strides = array<i32>} : memref<160xi32, #tpu.memory_space<vmem>>, vector<16xi32>,
      %gt3A = arith.constant 0 : i32
      %gt3A_105 = vector.broadcast %gt3A : i32 to vector<16xi32>
      %gt3A_106 = arith.cmpi sgt, %get3A_86, %gt3A_105 : vector<16xi32>
      %gt3A_107 = arith.constant 0 : i32
      %gt3A_108 = vector.broadcast %gt3A_107 : i32 to vector<16xi32>
      %gt3A_109 = arith.cmpi sgt, %get3A_88, %gt3A_108 : vector<16xi32>
      %gt3A_110 = arith.constant 0 : i32
      %gt3A_111 = vector.broadcast %gt3A_110 : i32 to vector<16xi32>
      %gt3A_112 = arith.cmpi sgt, %get3A_90, %gt3A_111 : vector<16xi32>
      %gt3A_113 = arith.constant 0 : i32
      %gt3A_114 = vector.broadcast %gt3A_113 : i32 to vector<16xi32>
      %gt3A_115 = arith.cmpi sgt, %get3A_92, %gt3A_114 : vector<16xi32>
      %gt3A_116 = arith.constant 0 : i32
      %gt3A_117 = vector.broadcast %gt3A_116 : i32 to vector<16xi32>
      %gt3A_118 = arith.cmpi sgt, %get3A_94, %gt3A_117 : vector<16xi32>
      %gt3A_119 = arith.constant 0 : i32
      %gt3A_120 = vector.broadcast %gt3A_119 : i32 to vector<16xi32>
      %gt3A_121 = arith.cmpi sgt, %get3A_96, %gt3A_120 : vector<16xi32>
      %gt3A_122 = arith.constant 0 : i32
      %gt3A_123 = vector.broadcast %gt3A_122 : i32 to vector<16xi32>
      %gt3A_124 = arith.cmpi sgt, %get3A_98, %gt3A_123 : vector<16xi32>
      %gt3A_125 = arith.constant 0 : i32
      %gt3A_126 = vector.broadcast %gt3A_125 : i32 to vector<16xi32>
      %gt3A_127 = arith.cmpi sgt, %get3A_100, %gt3A_126 : vector<16xi32>
      %gt3A_128 = arith.constant 0 : i32
      %gt3A_129 = vector.broadcast %gt3A_128 : i32 to vector<16xi32>
      %gt3A_130 = arith.cmpi sgt, %get3A_102, %gt3A_129 : vector<16xi32>
      %gt3A_131 = arith.constant 0 : i32
      %gt3A_132 = vector.broadcast %gt3A_131 : i32 to vector<16xi32>
      %gt3A_133 = arith.cmpi sgt, %get3A_104, %gt3A_132 : vector<16xi32>
      %scan3A_134 = arith.constant 0 : i32
      %scan3A_135 = arith.constant 0 : i32
      %scan3A_136 = arith.constant 128 : i32
      %scan3A_137 = arith.addi %scan3A_135, %scan3A_136 : i32
      %scan3A_138 = arith.constant 1 : i32
      scf.for %scan3A_242 = %scan3A_135 to %scan3A_137 step %scan3A_138  : i32 {
        %broadcast_in_dim3A_243 = vector.broadcast %scan3A_242 : i32 to vector<16xi32>
        %add3A_244 = arith.addi %broadcast_in_dim3A_243, %iota3A : vector<16xi32>
        %and3A = arith.constant 127 : i32
        %and3A_245 = vector.broadcast %and3A : i32 to vector<16xi32>
        %and3A_246 = arith.andi %add3A_244, %and3A_245 : vector<16xi32>
        %gather3A = tpu.vector_load_idx %arg6[%add3A_6, %and3A_246] : memref<160x128xf32, #tpu.memory_space<vmem>>[vector<16xi32>, vector<16xi32>], vector<16xf32>,
        %gather3A_247 = tpu.vector_load_idx %arg6[%add3A_9, %and3A_246] : memref<160x128xf32, #tpu.memory_space<vmem>>[vector<16xi32>, vector<16xi32>], vector<16xf32>,
        %gather3A_248 = tpu.vector_load_idx %arg6[%add3A_12, %and3A_246] : memref<160x128xf32, #tpu.memory_space<vmem>>[vector<16xi32>, vector<16xi32>], vector<16xf32>,
        %gather3A_249 = tpu.vector_load_idx %arg6[%add3A_15, %and3A_246] : memref<160x128xf32, #tpu.memory_space<vmem>>[vector<16xi32>, vector<16xi32>], vector<16xf32>,
        %gather3A_250 = tpu.vector_load_idx %arg6[%add3A_18, %and3A_246] : memref<160x128xf32, #tpu.memory_space<vmem>>[vector<16xi32>, vector<16xi32>], vector<16xf32>,
        %gather3A_251 = tpu.vector_load_idx %arg6[%add3A_21, %and3A_246] : memref<160x128xf32, #tpu.memory_space<vmem>>[vector<16xi32>, vector<16xi32>], vector<16xf32>,
        %gather3A_252 = tpu.vector_load_idx %arg6[%add3A_24, %and3A_246] : memref<160x128xf32, #tpu.memory_space<vmem>>[vector<16xi32>, vector<16xi32>], vector<16xf32>,
        %gather3A_253 = tpu.vector_load_idx %arg6[%add3A_27, %and3A_246] : memref<160x128xf32, #tpu.memory_space<vmem>>[vector<16xi32>, vector<16xi32>], vector<16xf32>,
        %gather3A_254 = tpu.vector_load_idx %arg6[%add3A_30, %and3A_246] : memref<160x128xf32, #tpu.memory_space<vmem>>[vector<16xi32>, vector<16xi32>], vector<16xf32>,
        %gather3A_255 = tpu.vector_load_idx %arg6[%add3A_33, %and3A_246] : memref<160x128xf32, #tpu.memory_space<vmem>>[vector<16xi32>, vector<16xi32>], vector<16xf32>,
        %gather3A_256 = tpu.vector_load_idx %arg12[%get3A_86, %and3A_246] : memref<8x128xf32, #tpu.memory_space<vmem>>[vector<16xi32>, vector<16xi32>], vector<16xf32>,
        %gather3A_257 = tpu.vector_load_idx %arg12[%get3A_88, %and3A_246] : memref<8x128xf32, #tpu.memory_space<vmem>>[vector<16xi32>, vector<16xi32>], vector<16xf32>,
        %gather3A_258 = tpu.vector_load_idx %arg12[%get3A_90, %and3A_246] : memref<8x128xf32, #tpu.memory_space<vmem>>[vector<16xi32>, vector<16xi32>], vector<16xf32>,
        %gather3A_259 = tpu.vector_load_idx %arg12[%get3A_92, %and3A_246] : memref<8x128xf32, #tpu.memory_space<vmem>>[vector<16xi32>, vector<16xi32>], vector<16xf32>,
        %gather3A_260 = tpu.vector_load_idx %arg12[%get3A_94, %and3A_246] : memref<8x128xf32, #tpu.memory_space<vmem>>[vector<16xi32>, vector<16xi32>], vector<16xf32>,
        %gather3A_261 = tpu.vector_load_idx %arg12[%get3A_96, %and3A_246] : memref<8x128xf32, #tpu.memory_space<vmem>>[vector<16xi32>, vector<16xi32>], vector<16xf32>,
        %gather3A_262 = tpu.vector_load_idx %arg12[%get3A_98, %and3A_246] : memref<8x128xf32, #tpu.memory_space<vmem>>[vector<16xi32>, vector<16xi32>], vector<16xf32>,
        %gather3A_263 = tpu.vector_load_idx %arg12[%get3A_100, %and3A_246] : memref<8x128xf32, #tpu.memory_space<vmem>>[vector<16xi32>, vector<16xi32>], vector<16xf32>,
        %gather3A_264 = tpu.vector_load_idx %arg12[%get3A_102, %and3A_246] : memref<8x128xf32, #tpu.memory_space<vmem>>[vector<16xi32>, vector<16xi32>], vector<16xf32>,
        %gather3A_265 = tpu.vector_load_idx %arg12[%get3A_104, %and3A_246] : memref<8x128xf32, #tpu.memory_space<vmem>>[vector<16xi32>, vector<16xi32>], vector<16xf32>,
        %select_n3A = arith.select %gt3A_106, %gather3A, %broadcast_in_dim3A_3 : vector<16xi1>, vector<16xf32>
        %add3A_266 = arith.addf %select_n3A, %gather3A_256 : vector<16xf32>
        %select_n3A_267 = arith.select %gt3A_109, %gather3A_247, %broadcast_in_dim3A_3 : vector<16xi1>, vector<16xf32>
        %add3A_268 = arith.addf %select_n3A_267, %gather3A_257 : vector<16xf32>
        %select_n3A_269 = arith.select %gt3A_112, %gather3A_248, %broadcast_in_dim3A_3 : vector<16xi1>, vector<16xf32>
        %add3A_270 = arith.addf %select_n3A_269, %gather3A_258 : vector<16xf32>
        %select_n3A_271 = arith.select %gt3A_115, %gather3A_249, %broadcast_in_dim3A_3 : vector<16xi1>, vector<16xf32>
        %add3A_272 = arith.addf %select_n3A_271, %gather3A_259 : vector<16xf32>
        %select_n3A_273 = arith.select %gt3A_118, %gather3A_250, %broadcast_in_dim3A_3 : vector<16xi1>, vector<16xf32>
        %add3A_274 = arith.addf %select_n3A_273, %gather3A_260 : vector<16xf32>
        %select_n3A_275 = arith.select %gt3A_121, %gather3A_251, %broadcast_in_dim3A_3 : vector<16xi1>, vector<16xf32>
        %add3A_276 = arith.addf %select_n3A_275, %gather3A_261 : vector<16xf32>
        %select_n3A_277 = arith.select %gt3A_124, %gather3A_252, %broadcast_in_dim3A_3 : vector<16xi1>, vector<16xf32>
        %add3A_278 = arith.addf %select_n3A_277, %gather3A_262 : vector<16xf32>
        %select_n3A_279 = arith.select %gt3A_127, %gather3A_253, %broadcast_in_dim3A_3 : vector<16xi1>, vector<16xf32>
        %add3A_280 = arith.addf %select_n3A_279, %gather3A_263 : vector<16xf32>
        %select_n3A_281 = arith.select %gt3A_130, %gather3A_254, %broadcast_in_dim3A_3 : vector<16xi1>, vector<16xf32>
        %add3A_282 = arith.addf %select_n3A_281, %gather3A_264 : vector<16xf32>
        %select_n3A_283 = arith.select %gt3A_133, %gather3A_255, %broadcast_in_dim3A_3 : vector<16xi1>, vector<16xf32>
        %add3A_284 = arith.addf %select_n3A_283, %gather3A_265 : vector<16xf32>
        tpu.vector_store_idx %arg8[%add3A_6, %and3A_246], %add3A_266 : memref<160x128xf32, #tpu.memory_space<vmem>>[vector<16xi32>, vector<16xi32>], vector<16xf32>,
        tpu.vector_store_idx %arg8[%add3A_9, %and3A_246], %add3A_268 : memref<160x128xf32, #tpu.memory_space<vmem>>[vector<16xi32>, vector<16xi32>], vector<16xf32>,
        tpu.vector_store_idx %arg8[%add3A_12, %and3A_246], %add3A_270 : memref<160x128xf32, #tpu.memory_space<vmem>>[vector<16xi32>, vector<16xi32>], vector<16xf32>,
        tpu.vector_store_idx %arg8[%add3A_15, %and3A_246], %add3A_272 : memref<160x128xf32, #tpu.memory_space<vmem>>[vector<16xi32>, vector<16xi32>], vector<16xf32>,
        tpu.vector_store_idx %arg8[%add3A_18, %and3A_246], %add3A_274 : memref<160x128xf32, #tpu.memory_space<vmem>>[vector<16xi32>, vector<16xi32>], vector<16xf32>,
        tpu.vector_store_idx %arg8[%add3A_21, %and3A_246], %add3A_276 : memref<160x128xf32, #tpu.memory_space<vmem>>[vector<16xi32>, vector<16xi32>], vector<16xf32>,
        tpu.vector_store_idx %arg8[%add3A_24, %and3A_246], %add3A_278 : memref<160x128xf32, #tpu.memory_space<vmem>>[vector<16xi32>, vector<16xi32>], vector<16xf32>,
        tpu.vector_store_idx %arg8[%add3A_27, %and3A_246], %add3A_280 : memref<160x128xf32, #tpu.memory_space<vmem>>[vector<16xi32>, vector<16xi32>], vector<16xf32>,
        tpu.vector_store_idx %arg8[%add3A_30, %and3A_246], %add3A_282 : memref<160x128xf32, #tpu.memory_space<vmem>>[vector<16xi32>, vector<16xi32>], vector<16xf32>,
        tpu.vector_store_idx %arg8[%add3A_33, %and3A_246], %add3A_284 : memref<160x128xf32, #tpu.memory_space<vmem>>[vector<16xi32>, vector<16xi32>], vector<16xf32>,
      }
      %scan3A_139 = arith.constant 128 : i32
      %mul3A_140 = arith.constant 160 : i32
      %mul3A_141 = arith.muli %add3A_73, %mul3A_140 : i32
      %add3A_142 = arith.addi %mul3A_2, %mul3A_141 : i32
      %dma_start3A_143 = arith.constant 0 : i32
      %dma_start3A_144 = tpu.memref_slice %arg5[%add3A_142, %dma_start3A_143] : memref<204800x128xf32, #tpu.memory_space<hbm>> -> memref<160x128xf32, #tpu.memory_space<hbm>>
      %dma_start3A_145 = arith.constant 0 : i32
      %dma_start3A_146 = tpu.memref_slice %arg5[%add3A_142, %dma_start3A_145] : memref<204800x128xf32, #tpu.memory_space<hbm>> -> memref<160x128xf32, #tpu.memory_space<hbm>>
      tpu.enqueue_dma source(%arg8 : memref<160x128xf32, #tpu.memory_space<vmem>>) target(%dma_start3A_146 : memref<160x128xf32, #tpu.memory_space<hbm>>) target_semaphore(%arg17 : memref<!tpu.dma_semaphore, #tpu.memory_space<semaphore_mem>>)
      %add3A_147 = arith.constant 2 : i32
      %add3A_148 = arith.addi %add3A_73, %add3A_147 : i32
      %lt3A = arith.constant 40 : i32
      %lt3A_149 = arith.cmpi slt, %add3A_148, %lt3A : i32
      %convert_element_type3A_150 = arith.extui %lt3A_149 : i1 to i32
      %cond3A_151 = arith.constant 0 : i32
      %cond3A_152 = arith.cmpi ne, %convert_element_type3A_150, %cond3A_151 : i32
      scf.if %cond3A_152 {
        %add3A_242 = arith.constant 2 : i32
        %add3A_243 = arith.addi %add3A_73, %add3A_242 : i32
        %mul3A_244 = arith.constant 160 : i32
        %mul3A_245 = arith.muli %add3A_243, %mul3A_244 : i32
        %add3A_246 = arith.addi %mul3A_2, %mul3A_245 : i32
        %dma_start3A_247 = arith.constant 0 : i32
        %dma_start3A_248 = tpu.memref_slice %arg2[%add3A_246, %dma_start3A_247] : memref<204800x128xf32, #tpu.memory_space<hbm>> -> memref<160x128xf32, #tpu.memory_space<hbm>>
        %dma_start3A_249 = arith.constant 0 : i32
        %dma_start3A_250 = tpu.memref_slice %arg2[%add3A_246, %dma_start3A_249] : memref<204800x128xf32, #tpu.memory_space<hbm>> -> memref<160x128xf32, #tpu.memory_space<hbm>>
        tpu.enqueue_dma source(%dma_start3A_250 : memref<160x128xf32, #tpu.memory_space<hbm>>) target(%arg6 : memref<160x128xf32, #tpu.memory_space<vmem>>) target_semaphore(%arg13 : memref<!tpu.dma_semaphore, #tpu.memory_space<semaphore_mem>>)
        %mul3A_251 = arith.constant 160 : i32
        %mul3A_252 = arith.muli %add3A_243, %mul3A_251 : i32
        %add3A_253 = arith.addi %mul3A_2, %mul3A_252 : i32
        %dma_start3A_254 = tpu.memref_slice %arg3[%add3A_253] : memref<204800xi32, #tpu.memory_space<hbm>> -> memref<160xi32, #tpu.memory_space<hbm>>
        %dma_start3A_255 = tpu.memref_slice %arg3[%add3A_253] : memref<204800xi32, #tpu.memory_space<hbm>> -> memref<160xi32, #tpu.memory_space<hbm>>
        tpu.enqueue_dma source(%dma_start3A_255 : memref<160xi32, #tpu.memory_space<hbm>>) target(%arg10 : memref<160xi32, #tpu.memory_space<vmem>>) target_semaphore(%arg15 : memref<!tpu.dma_semaphore, #tpu.memory_space<semaphore_mem>>)
      } else {
      }
      %mul3A_153 = arith.constant 2 : i32
      %mul3A_154 = arith.muli %scan3A_69, %mul3A_153 : i32
      %add3A_155 = arith.constant 1 : i32
      %add3A_156 = arith.addi %mul3A_154, %add3A_155 : i32
      %dma_wait3A_157 = arith.constant 0 : i32
      %dma_wait3A_158 = arith.constant 0 : i32
      %dma_wait3A_159 = tpu.memref_slice %arg2[%dma_wait3A_157, %dma_wait3A_158] : memref<204800x128xf32, #tpu.memory_space<hbm>> -> memref<160x128xf32, #tpu.memory_space<hbm>>
      %dma_wait3A_160 = arith.constant 0 : i32
      %dma_wait3A_161 = arith.constant 0 : i32
      %dma_wait3A_162 = tpu.memref_slice %arg2[%dma_wait3A_160, %dma_wait3A_161] : memref<204800x128xf32, #tpu.memory_space<hbm>> -> memref<160x128xf32, #tpu.memory_space<hbm>>
      tpu.wait_dma2 semaphore(%arg14 : memref<!tpu.dma_semaphore, #tpu.memory_space<semaphore_mem>>) src(%dma_wait3A_162 : memref<160x128xf32, #tpu.memory_space<hbm>>) dst(%arg7 : memref<160x128xf32, #tpu.memory_space<vmem>>)
      %dma_wait3A_163 = arith.constant 0 : i32
      %dma_wait3A_164 = tpu.memref_slice %arg3[%dma_wait3A_163] : memref<204800xi32, #tpu.memory_space<hbm>> -> memref<160xi32, #tpu.memory_space<hbm>>
      %dma_wait3A_165 = arith.constant 0 : i32
      %dma_wait3A_166 = tpu.memref_slice %arg3[%dma_wait3A_165] : memref<204800xi32, #tpu.memory_space<hbm>> -> memref<160xi32, #tpu.memory_space<hbm>>
      tpu.wait_dma2 semaphore(%arg16 : memref<!tpu.dma_semaphore, #tpu.memory_space<semaphore_mem>>) src(%dma_wait3A_166 : memref<160xi32, #tpu.memory_space<hbm>>) dst(%arg11 : memref<160xi32, #tpu.memory_space<vmem>>)
      %ge3A_167 = arith.constant 1 : i32
      %ge3A_168 = arith.cmpi sge, %scan3A_69, %ge3A_167 : i32
      %convert_element_type3A_169 = arith.extui %ge3A_168 : i1 to i32
      %cond3A_170 = arith.constant 0 : i32
      %cond3A_171 = arith.cmpi ne, %convert_element_type3A_169, %cond3A_170 : i32
      scf.if %cond3A_171 {
        %dma_wait3A_242 = arith.constant 0 : i32
        %dma_wait3A_243 = arith.constant 0 : i32
        %dma_wait3A_244 = tpu.memref_slice %arg5[%dma_wait3A_242, %dma_wait3A_243] : memref<204800x128xf32, #tpu.memory_space<hbm>> -> memref<160x128xf32, #tpu.memory_space<hbm>>
        %dma_wait3A_245 = arith.constant 0 : i32
        %dma_wait3A_246 = arith.constant 0 : i32
        %dma_wait3A_247 = tpu.memref_slice %arg5[%dma_wait3A_245, %dma_wait3A_246] : memref<204800x128xf32, #tpu.memory_space<hbm>> -> memref<160x128xf32, #tpu.memory_space<hbm>>
        tpu.wait_dma2 semaphore(%arg18 : memref<!tpu.dma_semaphore, #tpu.memory_space<semaphore_mem>>) src(%arg9 : memref<160x128xf32, #tpu.memory_space<vmem>>) dst(%dma_wait3A_247 : memref<160x128xf32, #tpu.memory_space<hbm>>)
      } else {
      }
      %get3A_172 = arith.constant 0 : index
      %get3A_173 = tpu.vector_load %arg11[%get3A_172] {strides = array<i32>} : memref<160xi32, #tpu.memory_space<vmem>>, vector<16xi32>,
      %get3A_174 = arith.constant 16 : index
      %get3A_175 = tpu.vector_load %arg11[%get3A_174] {strides = array<i32>} : memref<160xi32, #tpu.memory_space<vmem>>, vector<16xi32>,
      %get3A_176 = arith.constant 32 : index
      %get3A_177 = tpu.vector_load %arg11[%get3A_176] {strides = array<i32>} : memref<160xi32, #tpu.memory_space<vmem>>, vector<16xi32>,
      %get3A_178 = arith.constant 48 : index
      %get3A_179 = tpu.vector_load %arg11[%get3A_178] {strides = array<i32>} : memref<160xi32, #tpu.memory_space<vmem>>, vector<16xi32>,
      %get3A_180 = arith.constant 64 : index
      %get3A_181 = tpu.vector_load %arg11[%get3A_180] {strides = array<i32>} : memref<160xi32, #tpu.memory_space<vmem>>, vector<16xi32>,
      %get3A_182 = arith.constant 80 : index
      %get3A_183 = tpu.vector_load %arg11[%get3A_182] {strides = array<i32>} : memref<160xi32, #tpu.memory_space<vmem>>, vector<16xi32>,
      %get3A_184 = arith.constant 96 : index
      %get3A_185 = tpu.vector_load %arg11[%get3A_184] {strides = array<i32>} : memref<160xi32, #tpu.memory_space<vmem>>, vector<16xi32>,
      %get3A_186 = arith.constant 112 : index
      %get3A_187 = tpu.vector_load %arg11[%get3A_186] {strides = array<i32>} : memref<160xi32, #tpu.memory_space<vmem>>, vector<16xi32>,
      %get3A_188 = arith.constant 128 : index
      %get3A_189 = tpu.vector_load %arg11[%get3A_188] {strides = array<i32>} : memref<160xi32, #tpu.memory_space<vmem>>, vector<16xi32>,
      %get3A_190 = arith.constant 144 : index
      %get3A_191 = tpu.vector_load %arg11[%get3A_190] {strides = array<i32>} : memref<160xi32, #tpu.memory_space<vmem>>, vector<16xi32>,
      %gt3A_192 = arith.constant 0 : i32
      %gt3A_193 = vector.broadcast %gt3A_192 : i32 to vector<16xi32>
      %gt3A_194 = arith.cmpi sgt, %get3A_173, %gt3A_193 : vector<16xi32>
      %gt3A_195 = arith.constant 0 : i32
      %gt3A_196 = vector.broadcast %gt3A_195 : i32 to vector<16xi32>
      %gt3A_197 = arith.cmpi sgt, %get3A_175, %gt3A_196 : vector<16xi32>
      %gt3A_198 = arith.constant 0 : i32
      %gt3A_199 = vector.broadcast %gt3A_198 : i32 to vector<16xi32>
      %gt3A_200 = arith.cmpi sgt, %get3A_177, %gt3A_199 : vector<16xi32>
      %gt3A_201 = arith.constant 0 : i32
      %gt3A_202 = vector.broadcast %gt3A_201 : i32 to vector<16xi32>
      %gt3A_203 = arith.cmpi sgt, %get3A_179, %gt3A_202 : vector<16xi32>
      %gt3A_204 = arith.constant 0 : i32
      %gt3A_205 = vector.broadcast %gt3A_204 : i32 to vector<16xi32>
      %gt3A_206 = arith.cmpi sgt, %get3A_181, %gt3A_205 : vector<16xi32>
      %gt3A_207 = arith.constant 0 : i32
      %gt3A_208 = vector.broadcast %gt3A_207 : i32 to vector<16xi32>
      %gt3A_209 = arith.cmpi sgt, %get3A_183, %gt3A_208 : vector<16xi32>
      %gt3A_210 = arith.constant 0 : i32
      %gt3A_211 = vector.broadcast %gt3A_210 : i32 to vector<16xi32>
      %gt3A_212 = arith.cmpi sgt, %get3A_185, %gt3A_211 : vector<16xi32>
      %gt3A_213 = arith.constant 0 : i32
      %gt3A_214 = vector.broadcast %gt3A_213 : i32 to vector<16xi32>
      %gt3A_215 = arith.cmpi sgt, %get3A_187, %gt3A_214 : vector<16xi32>
      %gt3A_216 = arith.constant 0 : i32
      %gt3A_217 = vector.broadcast %gt3A_216 : i32 to vector<16xi32>
      %gt3A_218 = arith.cmpi sgt, %get3A_189, %gt3A_217 : vector<16xi32>
      %gt3A_219 = arith.constant 0 : i32
      %gt3A_220 = vector.broadcast %gt3A_219 : i32 to vector<16xi32>
      %gt3A_221 = arith.cmpi sgt, %get3A_191, %gt3A_220 : vector<16xi32>
      %scan3A_222 = arith.constant 0 : i32
      %scan3A_223 = arith.constant 0 : i32
      %scan3A_224 = arith.constant 128 : i32
      %scan3A_225 = arith.addi %scan3A_223, %scan3A_224 : i32
      %scan3A_226 = arith.constant 1 : i32
      scf.for %scan3A_242 = %scan3A_223 to %scan3A_225 step %scan3A_226  : i32 {
        %broadcast_in_dim3A_243 = vector.broadcast %scan3A_242 : i32 to vector<16xi32>
        %add3A_244 = arith.addi %broadcast_in_dim3A_243, %iota3A : vector<16xi32>
        %and3A = arith.constant 127 : i32
        %and3A_245 = vector.broadcast %and3A : i32 to vector<16xi32>
        %and3A_246 = arith.andi %add3A_244, %and3A_245 : vector<16xi32>
        %gather3A = tpu.vector_load_idx %arg7[%add3A_6, %and3A_246] : memref<160x128xf32, #tpu.memory_space<vmem>>[vector<16xi32>, vector<16xi32>], vector<16xf32>,
        %gather3A_247 = tpu.vector_load_idx %arg7[%add3A_9, %and3A_246] : memref<160x128xf32, #tpu.memory_space<vmem>>[vector<16xi32>, vector<16xi32>], vector<16xf32>,
        %gather3A_248 = tpu.vector_load_idx %arg7[%add3A_12, %and3A_246] : memref<160x128xf32, #tpu.memory_space<vmem>>[vector<16xi32>, vector<16xi32>], vector<16xf32>,
        %gather3A_249 = tpu.vector_load_idx %arg7[%add3A_15, %and3A_246] : memref<160x128xf32, #tpu.memory_space<vmem>>[vector<16xi32>, vector<16xi32>], vector<16xf32>,
        %gather3A_250 = tpu.vector_load_idx %arg7[%add3A_18, %and3A_246] : memref<160x128xf32, #tpu.memory_space<vmem>>[vector<16xi32>, vector<16xi32>], vector<16xf32>,
        %gather3A_251 = tpu.vector_load_idx %arg7[%add3A_21, %and3A_246] : memref<160x128xf32, #tpu.memory_space<vmem>>[vector<16xi32>, vector<16xi32>], vector<16xf32>,
        %gather3A_252 = tpu.vector_load_idx %arg7[%add3A_24, %and3A_246] : memref<160x128xf32, #tpu.memory_space<vmem>>[vector<16xi32>, vector<16xi32>], vector<16xf32>,
        %gather3A_253 = tpu.vector_load_idx %arg7[%add3A_27, %and3A_246] : memref<160x128xf32, #tpu.memory_space<vmem>>[vector<16xi32>, vector<16xi32>], vector<16xf32>,
        %gather3A_254 = tpu.vector_load_idx %arg7[%add3A_30, %and3A_246] : memref<160x128xf32, #tpu.memory_space<vmem>>[vector<16xi32>, vector<16xi32>], vector<16xf32>,
        %gather3A_255 = tpu.vector_load_idx %arg7[%add3A_33, %and3A_246] : memref<160x128xf32, #tpu.memory_space<vmem>>[vector<16xi32>, vector<16xi32>], vector<16xf32>,
        %gather3A_256 = tpu.vector_load_idx %arg12[%get3A_173, %and3A_246] : memref<8x128xf32, #tpu.memory_space<vmem>>[vector<16xi32>, vector<16xi32>], vector<16xf32>,
        %gather3A_257 = tpu.vector_load_idx %arg12[%get3A_175, %and3A_246] : memref<8x128xf32, #tpu.memory_space<vmem>>[vector<16xi32>, vector<16xi32>], vector<16xf32>,
        %gather3A_258 = tpu.vector_load_idx %arg12[%get3A_177, %and3A_246] : memref<8x128xf32, #tpu.memory_space<vmem>>[vector<16xi32>, vector<16xi32>], vector<16xf32>,
        %gather3A_259 = tpu.vector_load_idx %arg12[%get3A_179, %and3A_246] : memref<8x128xf32, #tpu.memory_space<vmem>>[vector<16xi32>, vector<16xi32>], vector<16xf32>,
        %gather3A_260 = tpu.vector_load_idx %arg12[%get3A_181, %and3A_246] : memref<8x128xf32, #tpu.memory_space<vmem>>[vector<16xi32>, vector<16xi32>], vector<16xf32>,
        %gather3A_261 = tpu.vector_load_idx %arg12[%get3A_183, %and3A_246] : memref<8x128xf32, #tpu.memory_space<vmem>>[vector<16xi32>, vector<16xi32>], vector<16xf32>,
        %gather3A_262 = tpu.vector_load_idx %arg12[%get3A_185, %and3A_246] : memref<8x128xf32, #tpu.memory_space<vmem>>[vector<16xi32>, vector<16xi32>], vector<16xf32>,
        %gather3A_263 = tpu.vector_load_idx %arg12[%get3A_187, %and3A_246] : memref<8x128xf32, #tpu.memory_space<vmem>>[vector<16xi32>, vector<16xi32>], vector<16xf32>,
        %gather3A_264 = tpu.vector_load_idx %arg12[%get3A_189, %and3A_246] : memref<8x128xf32, #tpu.memory_space<vmem>>[vector<16xi32>, vector<16xi32>], vector<16xf32>,
        %gather3A_265 = tpu.vector_load_idx %arg12[%get3A_191, %and3A_246] : memref<8x128xf32, #tpu.memory_space<vmem>>[vector<16xi32>, vector<16xi32>], vector<16xf32>,
        %select_n3A = arith.select %gt3A_194, %gather3A, %broadcast_in_dim3A_3 : vector<16xi1>, vector<16xf32>
        %add3A_266 = arith.addf %select_n3A, %gather3A_256 : vector<16xf32>
        %select_n3A_267 = arith.select %gt3A_197, %gather3A_247, %broadcast_in_dim3A_3 : vector<16xi1>, vector<16xf32>
        %add3A_268 = arith.addf %select_n3A_267, %gather3A_257 : vector<16xf32>
        %select_n3A_269 = arith.select %gt3A_200, %gather3A_248, %broadcast_in_dim3A_3 : vector<16xi1>, vector<16xf32>
        %add3A_270 = arith.addf %select_n3A_269, %gather3A_258 : vector<16xf32>
        %select_n3A_271 = arith.select %gt3A_203, %gather3A_249, %broadcast_in_dim3A_3 : vector<16xi1>, vector<16xf32>
        %add3A_272 = arith.addf %select_n3A_271, %gather3A_259 : vector<16xf32>
        %select_n3A_273 = arith.select %gt3A_206, %gather3A_250, %broadcast_in_dim3A_3 : vector<16xi1>, vector<16xf32>
        %add3A_274 = arith.addf %select_n3A_273, %gather3A_260 : vector<16xf32>
        %select_n3A_275 = arith.select %gt3A_209, %gather3A_251, %broadcast_in_dim3A_3 : vector<16xi1>, vector<16xf32>
        %add3A_276 = arith.addf %select_n3A_275, %gather3A_261 : vector<16xf32>
        %select_n3A_277 = arith.select %gt3A_212, %gather3A_252, %broadcast_in_dim3A_3 : vector<16xi1>, vector<16xf32>
        %add3A_278 = arith.addf %select_n3A_277, %gather3A_262 : vector<16xf32>
        %select_n3A_279 = arith.select %gt3A_215, %gather3A_253, %broadcast_in_dim3A_3 : vector<16xi1>, vector<16xf32>
        %add3A_280 = arith.addf %select_n3A_279, %gather3A_263 : vector<16xf32>
        %select_n3A_281 = arith.select %gt3A_218, %gather3A_254, %broadcast_in_dim3A_3 : vector<16xi1>, vector<16xf32>
        %add3A_282 = arith.addf %select_n3A_281, %gather3A_264 : vector<16xf32>
        %select_n3A_283 = arith.select %gt3A_221, %gather3A_255, %broadcast_in_dim3A_3 : vector<16xi1>, vector<16xf32>
        %add3A_284 = arith.addf %select_n3A_283, %gather3A_265 : vector<16xf32>
        tpu.vector_store_idx %arg9[%add3A_6, %and3A_246], %add3A_266 : memref<160x128xf32, #tpu.memory_space<vmem>>[vector<16xi32>, vector<16xi32>], vector<16xf32>,
        tpu.vector_store_idx %arg9[%add3A_9, %and3A_246], %add3A_268 : memref<160x128xf32, #tpu.memory_space<vmem>>[vector<16xi32>, vector<16xi32>], vector<16xf32>,
        tpu.vector_store_idx %arg9[%add3A_12, %and3A_246], %add3A_270 : memref<160x128xf32, #tpu.memory_space<vmem>>[vector<16xi32>, vector<16xi32>], vector<16xf32>,
        tpu.vector_store_idx %arg9[%add3A_15, %and3A_246], %add3A_272 : memref<160x128xf32, #tpu.memory_space<vmem>>[vector<16xi32>, vector<16xi32>], vector<16xf32>,
        tpu.vector_store_idx %arg9[%add3A_18, %and3A_246], %add3A_274 : memref<160x128xf32, #tpu.memory_space<vmem>>[vector<16xi32>, vector<16xi32>], vector<16xf32>,
        tpu.vector_store_idx %arg9[%add3A_21, %and3A_246], %add3A_276 : memref<160x128xf32, #tpu.memory_space<vmem>>[vector<16xi32>, vector<16xi32>], vector<16xf32>,
        tpu.vector_store_idx %arg9[%add3A_24, %and3A_246], %add3A_278 : memref<160x128xf32, #tpu.memory_space<vmem>>[vector<16xi32>, vector<16xi32>], vector<16xf32>,
        tpu.vector_store_idx %arg9[%add3A_27, %and3A_246], %add3A_280 : memref<160x128xf32, #tpu.memory_space<vmem>>[vector<16xi32>, vector<16xi32>], vector<16xf32>,
        tpu.vector_store_idx %arg9[%add3A_30, %and3A_246], %add3A_282 : memref<160x128xf32, #tpu.memory_space<vmem>>[vector<16xi32>, vector<16xi32>], vector<16xf32>,
        tpu.vector_store_idx %arg9[%add3A_33, %and3A_246], %add3A_284 : memref<160x128xf32, #tpu.memory_space<vmem>>[vector<16xi32>, vector<16xi32>], vector<16xf32>,
      }
      %scan3A_227 = arith.constant 128 : i32
      %mul3A_228 = arith.constant 160 : i32
      %mul3A_229 = arith.muli %add3A_156, %mul3A_228 : i32
      %add3A_230 = arith.addi %mul3A_2, %mul3A_229 : i32
      %dma_start3A_231 = arith.constant 0 : i32
      %dma_start3A_232 = tpu.memref_slice %arg5[%add3A_230, %dma_start3A_231] : memref<204800x128xf32, #tpu.memory_space<hbm>> -> memref<160x128xf32, #tpu.memory_space<hbm>>
      %dma_start3A_233 = arith.constant 0 : i32
      %dma_start3A_234 = tpu.memref_slice %arg5[%add3A_230, %dma_start3A_233] : memref<204800x128xf32, #tpu.memory_space<hbm>> -> memref<160x128xf32, #tpu.memory_space<hbm>>
      tpu.enqueue_dma source(%arg9 : memref<160x128xf32, #tpu.memory_space<vmem>>) target(%dma_start3A_234 : memref<160x128xf32, #tpu.memory_space<hbm>>) target_semaphore(%arg18 : memref<!tpu.dma_semaphore, #tpu.memory_space<semaphore_mem>>)
      %add3A_235 = arith.constant 2 : i32
      %add3A_236 = arith.addi %add3A_156, %add3A_235 : i32
      %lt3A_237 = arith.constant 40 : i32
      %lt3A_238 = arith.cmpi slt, %add3A_236, %lt3A_237 : i32
      %convert_element_type3A_239 = arith.extui %lt3A_238 : i1 to i32
      %cond3A_240 = arith.constant 0 : i32
      %cond3A_241 = arith.cmpi ne, %convert_element_type3A_239, %cond3A_240 : i32
      scf.if %cond3A_241 {
        %add3A_242 = arith.constant 2 : i32
        %add3A_243 = arith.addi %add3A_156, %add3A_242 : i32
        %mul3A_244 = arith.constant 160 : i32
        %mul3A_245 = arith.muli %add3A_243, %mul3A_244 : i32
        %add3A_246 = arith.addi %mul3A_2, %mul3A_245 : i32
        %dma_start3A_247 = arith.constant 0 : i32
        %dma_start3A_248 = tpu.memref_slice %arg2[%add3A_246, %dma_start3A_247] : memref<204800x128xf32, #tpu.memory_space<hbm>> -> memref<160x128xf32, #tpu.memory_space<hbm>>
        %dma_start3A_249 = arith.constant 0 : i32
        %dma_start3A_250 = tpu.memref_slice %arg2[%add3A_246, %dma_start3A_249] : memref<204800x128xf32, #tpu.memory_space<hbm>> -> memref<160x128xf32, #tpu.memory_space<hbm>>
        tpu.enqueue_dma source(%dma_start3A_250 : memref<160x128xf32, #tpu.memory_space<hbm>>) target(%arg7 : memref<160x128xf32, #tpu.memory_space<vmem>>) target_semaphore(%arg14 : memref<!tpu.dma_semaphore, #tpu.memory_space<semaphore_mem>>)
        %mul3A_251 = arith.constant 160 : i32
        %mul3A_252 = arith.muli %add3A_243, %mul3A_251 : i32
        %add3A_253 = arith.addi %mul3A_2, %mul3A_252 : i32
        %dma_start3A_254 = tpu.memref_slice %arg3[%add3A_253] : memref<204800xi32, #tpu.memory_space<hbm>> -> memref<160xi32, #tpu.memory_space<hbm>>
        %dma_start3A_255 = tpu.memref_slice %arg3[%add3A_253] : memref<204800xi32, #tpu.memory_space<hbm>> -> memref<160xi32, #tpu.memory_space<hbm>>
        tpu.enqueue_dma source(%dma_start3A_255 : memref<160xi32, #tpu.memory_space<hbm>>) target(%arg11 : memref<160xi32, #tpu.memory_space<vmem>>) target_semaphore(%arg16 : memref<!tpu.dma_semaphore, #tpu.memory_space<semaphore_mem>>)
      } else {
      }
    }
    %scan3A_57 = arith.constant 20 : i32
    %dma_wait3A = arith.constant 0 : i32
    %dma_wait3A_58 = arith.constant 0 : i32
    %dma_wait3A_59 = tpu.memref_slice %arg5[%dma_wait3A, %dma_wait3A_58] : memref<204800x128xf32, #tpu.memory_space<hbm>> -> memref<160x128xf32, #tpu.memory_space<hbm>>
    %dma_wait3A_60 = arith.constant 0 : i32
    %dma_wait3A_61 = arith.constant 0 : i32
    %dma_wait3A_62 = tpu.memref_slice %arg5[%dma_wait3A_60, %dma_wait3A_61] : memref<204800x128xf32, #tpu.memory_space<hbm>> -> memref<160x128xf32, #tpu.memory_space<hbm>>
    tpu.wait_dma2 semaphore(%arg17 : memref<!tpu.dma_semaphore, #tpu.memory_space<semaphore_mem>>) src(%arg8 : memref<160x128xf32, #tpu.memory_space<vmem>>) dst(%dma_wait3A_62 : memref<160x128xf32, #tpu.memory_space<hbm>>)
    %dma_wait3A_63 = arith.constant 0 : i32
    %dma_wait3A_64 = arith.constant 0 : i32
    %dma_wait3A_65 = tpu.memref_slice %arg5[%dma_wait3A_63, %dma_wait3A_64] : memref<204800x128xf32, #tpu.memory_space<hbm>> -> memref<160x128xf32, #tpu.memory_space<hbm>>
    %dma_wait3A_66 = arith.constant 0 : i32
    %dma_wait3A_67 = arith.constant 0 : i32
    %dma_wait3A_68 = tpu.memref_slice %arg5[%dma_wait3A_66, %dma_wait3A_67] : memref<204800x128xf32, #tpu.memory_space<hbm>> -> memref<160x128xf32, #tpu.memory_space<hbm>>
    tpu.wait_dma2 semaphore(%arg18 : memref<!tpu.dma_semaphore, #tpu.memory_space<semaphore_mem>>) src(%arg9 : memref<160x128xf32, #tpu.memory_space<vmem>>) dst(%dma_wait3A_68 : memref<160x128xf32, #tpu.memory_space<hbm>>)
    return
  }
}

</mosaic_0001>

<sc_bundles>
// kernel: kernel.3.cloned.1.call-start
scs
__scs_entry_jumppad:
0x0: {  	(pc) =	sbr.rel $0x88, $3  }
0x1: {  	(tag) =	ssettag $0x0;
	lr =	simm.s32 $0x1  }
0x2: {  	[smem:$0x3F9D] =	sst lr;
	_ =	strace $0xD0000000  }
0x3: {  	_ = 	snop  }
0x4: {  	_ = 	snop  }
0x5: {  	_ = 	snop  }
0x6: {  	_ = 	snop  }
0x7: {  	_ = 	snop  }
__scs_overlays_trampoline_lowered:
0x8: {  	[smem:$0x3FAC] =	sst s0  }
0x9: {  	[smem:$0x3FAD] =	sst s1  }
0xa: {  	[smem:$0x3FAE] =	sst s2  }
0xb: {  	[smem:$0x3FAF] =	sst s3  }
0xc: {  	[smem:$0x3FB0] =	sst s4  }
0xd: {  	[smem:$0x3FB1] =	sst s5  }
0xe: {  	[smem:$0x3FB2] =	sst s6  }
0xf: {  	[smem:$0x3FB3] =	sst s7  }
0x10: {  	[smem:$0x3FB4] =	sst s8  }
0x11: {  	[smem:$0x3FB5] =	sst s9;
	s0 =	simm.s32 @!p0 $0x0  }
0x12: {  	s1 =	sld [smem:$0x3F9B];
	s0 =	simm.s32 @p0 $0x1  }
0x13: {  	[smem:$0x3FB6] =	sst s0;
	s0 =	simm.s32 @!p1 $0x0  }
0x14: {  	s2 =	sld [smem:$0x3F9A];
	s0 =	simm.s32 @p1 $0x1  }
0x15: {  	[smem:$0x3FB7] =	sst s0;
	s0 =	simm.s32 @!p2 $0x0  }
0x16: {  	s3 =	sld [smem:$0x3FDB];
	s0 =	simm.s32 @p2 $0x1  }
0x17: {  	s4 =	simm.s32 $0x1BF5;
	[smem:$0x3FB9] =	sst s0  }
0x18: {  	s0 =	sld [smem:$0x3F9C];
	_ =	swait.ge [sflag:s4], $0x0  }
0x19: {  	s7 =	sld [smem:$0x3F9D]  }
0x1a: {  	s8 =	sadd.s32 $0xFFFFE003, lr  }
0x1b: {  	s9 =	sadd.s32 $0xFFFFFEF7, lr;
	s5 =	simm.s32 $0xFFFFFFFF;
	p2 =	slt.u32 s8, $0xFFFFF086  }
0x1c: {  	p1 =	slt.u32 s9, $0xF7A;
	s5 =	simm.s32 @!p2 $0x0  }
0x1d: {  	s5 =	simm.s32 @p1 $0x1;
	p0 =	seq.s32 s7, s2  }
0x1e: {  	s7 =	smul.u32 @!p0 $0xF7A, s2;
	p2 =	seq.s32 @!p0 s5, $0x0  }
0x1f: {  	s9 =	smul.u32 $0xF7A, s1;
	s8 =	simm.s32 @!p0 $0x1BF5;
	p2 =	por !p2, p0  }
0x20: {  	[sflag:s8] =	ssyncset.s32 @!p0 $0xFFFFF086;
	s6 =	sadd.s32 @!p0 s3, s7;
	s7 =	simm.s32 @!p0 $0x108  }
0x21: {  	s3 =	sadd.s32 s3, s9;
	s6 =	sadd.s32 @!p0 $0x88, s6;
	s7 =	simm.s32 @p2 $0x1082  }
0x22: {  	[simem:s7], [sflag:s8] =	dma.local @!p0 [hbm:s6], $0xF7A  }
0x23: {  	s9 =	sor.u32 $0xD0000000, s2;
	s6 =	simm.s32 $0x108;
	_ =	swait.ge @!p0 [sflag:s8], $0x0  }
0x24: {  	s3 =	sadd.s32 $0x88, s3;
	s6 =	simm.s32 @!p1 $0x1082;
	[sflag:s4] =	ssyncset.s32 $0xFFFFF086  }
0x25: {  	[simem:s6], [sflag:s4] =	dma.local [hbm:s3], $0xF7A  }
0x26: {  	[smem:$0x3F9D] =	sst s1;
	(tag) =	ssettag s2;
	_ =	strace s9  }
0x27: {  	s1 =	sld [smem:$0x3FAD]  }
0x28: {  	s2 =	sld [smem:$0x3FAE]  }
0x29: {  	s4 =	sld [smem:$0x3FB0]  }
0x2a: {  	p0 =	seq.s32 s5, $0x0;
	s5 =	sld [smem:$0x3FB1]  }
0x2b: {  	s6 =	sld [smem:$0x3FB2]  }
0x2c: {  	s7 =	sld [smem:$0x3FB3]  }
0x2d: {  	s3 =	simm.s32 $0x108;
	s8 =	sld [smem:$0x3FB4]  }
0x2e: {  	s3 =	simm.s32 @!p0 $0x1082;
	s9 =	sld [smem:$0x3FB5]  }
0x2f: {  	lr =	sadd.s32 s0, s3;
	s0 =	sld [smem:$0x3FAC]  }
0x30: {  	s3 =	sld [smem:$0x3FAF]  }
0x31: {  	[smem:$0x3FB8] =	sst s10  }
0x32: {  	s10 =	sld [smem:$0x3FB6];
	_ =	sdelay $0x3  }
0x33: {  	p0 =	seq.s32 s10, $0x1;
	s10 =	sld [smem:$0x3FB8];
	_ =	sdelay $0x3  }
0x34: {  	[smem:$0x3FB8] =	sst s10  }
0x35: {  	s10 =	sld [smem:$0x3FB7];
	_ =	sdelay $0x3  }
0x36: {  	p1 =	seq.s32 s10, $0x1;
	s10 =	sld [smem:$0x3FB8];
	_ =	sdelay $0x3  }
0x37: {  	[smem:$0x3FB8] =	sst s10  }
0x38: {  	s10 =	sld [smem:$0x3FB9]  }
0x39: {  	_ = 	snop;
	(pc) =	sbr.ind lr, $3  }
0x3a: {  	_ = 	snop  }
0x3b: {  	_ = 	snop  }
0x3c: {  	p2 =	seq.s32 s10, $0x1;
	s10 =	sld [smem:$0x3FB8]  }
0x3d: {  	_ =	shalt  }
0x3e: {  	_ =	shalt  }
0x3f: {  	_ =	shalt  }
0x40: {  	_ =	shalt  }
0x41: {  	_ =	shalt  }
0x42: {  	_ =	shalt  }
0x43: {  	_ =	shalt  }
0x44: {  	_ =	shalt  }
0x45: {  	_ =	shalt  }
0x46: {  	_ =	shalt  }
0x47: {  	_ =	shalt  }
0x48: {  	_ =	shalt  }
0x49: {  	_ =	shalt  }
0x4a: {  	_ =	shalt  }
0x4b: {  	_ =	shalt  }
0x4c: {  	_ =	shalt  }
0x4d: {  	_ =	shalt  }
0x4e: {  	_ =	shalt  }
0x4f: {  	_ =	shalt  }
0x50: {  	_ =	shalt  }
0x51: {  	_ =	shalt  }
0x52: {  	_ =	shalt  }
0x53: {  	_ =	shalt  }
0x54: {  	_ =	shalt  }
0x55: {  	_ =	shalt  }
0x56: {  	_ =	shalt  }
0x57: {  	_ =	shalt  }
0x58: {  	_ =	shalt  }
0x59: {  	_ =	shalt  }
0x5a: {  	_ =	shalt  }
0x5b: {  	_ =	shalt  }
0x5c: {  	_ =	shalt  }
0x5d: {  	_ =	shalt  }
0x5e: {  	_ =	shalt  }
0x5f: {  	_ =	shalt  }
0x60: {  	_ =	shalt  }
0x61: {  	_ =	shalt  }
0x62: {  	_ =	shalt  }
0x63: {  	_ =	shalt  }
0x64: {  	_ =	shalt  }
0x65: {  	_ =	shalt  }
0x66: {  	_ =	shalt  }
0x67: {  	_ =	shalt  }
0x68: {  	_ =	shalt  }
0x69: {  	_ =	shalt  }
0x6a: {  	_ =	shalt  }
0x6b: {  	_ =	shalt  }
0x6c: {  	_ =	shalt  }
0x6d: {  	_ =	shalt  }
0x6e: {  	_ =	shalt  }
0x6f: {  	_ =	shalt  }
0x70: {  	_ =	shalt  }
0x71: {  	_ =	shalt  }
0x72: {  	_ =	shalt  }
0x73: {  	_ =	shalt  }
0x74: {  	_ =	shalt  }
0x75: {  	_ =	shalt  }
0x76: {  	_ =	shalt  }
0x77: {  	_ =	shalt  }
0x78: {  	_ =	shalt  }
0x79: {  	_ =	shalt  }
0x7a: {  	_ =	shalt  }
0x7b: {  	_ =	shalt  }
0x7c: {  	_ =	shalt  }
0x7d: {  	_ =	shalt  }
0x7e: {  	_ =	shalt  }
0x7f: {  	_ =	shalt  }
0x80: {  	_ =	shalt  }
0x81: {  	_ =	shalt  }
0x82: {  	_ =	shalt  }
0x83: {  	_ =	shalt  }
0x84: {  	_ =	shalt  }
0x85: {  	_ =	shalt  }
0x86: {  	_ =	shalt  }
0x87: {  	_ =	shalt  }
.Lfunc_end0:
.L_simem_size_0:
called_computation.1_lowered:
.L_overlay_start_0:
0x88: {  	s2 =	sld [smem:$0x3FD9]  }
0x89: {  	s3 =	sld [smem:$0x3FFE];
	_ =	sdelay $0x1  }
0x8a: {  	s1 =	srdreg.scid  }
0x8b: {  	s0 =	sand.u32 $0x1, s1  }
0x8c: {  	s17 =	sshll.u32 s0, $0xA;
	s2 =	sadd.s32 s3, s2  }
0x8d: {  	s2 =	sadd.s32 s2, s17  }
0x8e: {  	[smem:$0x3FC4] =	sst s2  }
0x8f: {  	_ = 	snop  }
0x90: {  	s2 =	sld [smem:$0x3FD0];
	(tm) =	ssettm $0x1  }
0x91: {  	s18 =	sld [smem:$0x3FFB];
	_ =	sdelay $0x3  }
0x92: {  	_ =	strace s18  }
0x93: {  	s3 =	sld [smem:$0x3FFC];
	_ =	sdelay $0x3  }
0x94: {  	_ =	strace s3  }
0x95: {  	s3 =	sld [smem:$0x3FFD];
	_ =	sdelay $0x3  }
0x96: {  	_ =	strace s3  }
0x97: {  	_ =	strace $0x8FFFFFFF  }
0x98: {  	s19 =	sld [smem:$0x3FDB];
	_ =	sdelay $0x1  }
0x99: {  	s4 =	simm.s32 $_scs_section_size  }
0x9a: {  	s5 =	simm.s32 $_size__tile_overlayer_lowered;
	s6 =	simm.s32 $_tile_overlayer_lowered  }
0x9b: {  	s22 =	simm.s32 $0x1BFF;
	s21 =	sshll.u32 s6, $0x1;
	s3 =	sadd.s32 s4, s19  }
0x9c: {  	s7 =	simm.s32 $0x0;
	s20 =	sshll.u32 s5, $0x1;
	s5 =	sadd.s32 s21, s3  }
0x9d: {  	[timem:s7], [sflag:s22] =	dma.local [hbm:s5], s20  }
0x9e: {  	_ =	swait.ge [sflag:s22], s20  }
0x9f: {  	s4 =	ssub.s32 $0x0, s20;
	[sflag:s22] =	ssyncset.done $0x0  }
0xa0: {  	[sflag:s22] =	ssyncadd.s32 s4;
	_ =	sdelay $0x1  }
0xa1: {  	s23 =	simm.s32 $0x1B8B  }
0xa2: {  	_ =	swait.ge [sflag:s23], $0x1  }
0xa3: {  	[sflag:s23] =	ssyncset.done $0x0  }
0xa4: {  	s25 =	simm.s32 $0x1B8E;
	s24 =	sld [smem:$0x3FFE];
	[sflag:s23] =	ssyncadd.s32 $0xFFFFFFFF  }
0xa5: {  	s26 =	simm.s32 $execute0_lowered;
	[smem:$0x3FD2] =	sst s25  }
0xa6: {  	s5 =	sshll.u32 s26, $0x1;
	_ =	strace $0x80000046;
	[dreg:$0x1] =	wrdreg $0xFFFFFFFF  }
0xa7: {  	s28 =	simm.s32 $_size_execute0_lowered;
	s3 =	sadd.s32 s3, s5;
	[dreg:$0x0] =	wrdreg $0x0  }
0xa8: {  	s5 =	sshll.u32 s28, $0x1;
	[dreg:$0x2] =	wrdreg s3  }
0xa9: {  	[dreg:$0x3] =	wrdreg s5  }
0xaa: {  	[dreg:$0x4] =	wrdreg $0xC0  }
0xab: {  	_ =	task [dreg:s7], $0x5FFFF  }
0xac: {  	[dreg:$0x1] =	wrdreg $0xFFFFFFFF  }
0xad: {  	[dreg:$0x0] =	wrdreg $0x60  }
0xae: {  	[dreg:$0x2] =	wrdreg s2  }
0xaf: {  	[dreg:$0x3] =	wrdreg s24  }
0xb0: {  	[dreg:$0x4] =	wrdreg $0x9  }
0xb1: {  	_ =	task.clear_ibuf [dreg:s7], $0x5FFFF;
	_ =	strace $0x90000046  }
0xb2: {  	s29 =	simm.s32 $0x9;
	_ =	strace $0x80000048  }
0xb3: {  	_ =	swait.ge [sflag:s29], $0x1  }
0xb4: {  	[sflag:s29] =	ssyncadd.s32 $0xFFFFFFFF  }
0xb5: {  	_ =	strace $0x90000048  }
0xb6: {  	_ =	sfence  }
0xb7: {  	s30 =	sld [smem:$0x0];
	_ =	sdelay $0x2  }
0xb8: {  	s31 =	sshll.u32 s1, $0xD;
	s1 =	sshrl.u32 s1, $0x2  }
0xb9: {  	s3 =	sand.u32 $0x4000, s31;
	s1 =	sadd.s32 s1, s30  }
0xba: {  	s0 =	sor.u32 s3, s0;
	s1 =	sshll.u32 s1, $0x11  }
0xbb: {  	s0 =	sor.u32 s1, s0  }
0xbc: {  	s0 =	sadd.s32 $0x8F2B, s0  }
0xbd: {  	[sflag:s0] =	ssyncadd.remote.s32 $0x1  }
0xbe: {  	_ =	sfence.sel $0xFFFF  }
0xbf: {  	[dreg:$0x0] =	wrdreg $0xFFFFFFFF;
	(pc) =	sbr.abs _section_cstart, $3  }
0xc0: {  	[dreg:$0x1] =	wrdreg $0xFFFFFFFF  }
0xc1: {  	_ =	task.clear_ibuf [dreg:s7], $0x2FFFF;
	_ =	strace $0x9FFFFFFF  }
0xc2: {  	(tm) =	ssettm $0x7FFFFFFF  }
0xc3: {  	_ =	shalt  }
tec
execute0_lowered:
.L_overlay_start_1:
0x0: {  	(tag) =	ssettag $0x1  }
0x1: {  	s1 =	rddreg [dreg:$0x0]  }
0x2: {  	s0 =	rddreg [dreg:$0x1]  }
0x3: {  	s3 =	simm.s32 $0x0;
	s2 =	srdreg.scid;
	s4 =	stileid.u32  }
0x4: {  	s16 =	simm.s32 $0x14200;
	s17 =	simm.s32 $0x7;
	s19 =	simm.s32 $0x5000  }
0x5: {  	s20 =	simm.s32 $0x14100;
	s21 =	simm.s32 $0x1;
	s22 =	simm.s32 $0x3  }
0x6: {  	s23 =	simm.s32 $0xA000;
	s24 =	simm.s32 $0x2;
	s28 =	simm.s32 $0x5  }
0x7: {  	s29 =	simm.s32 $0x6;
	s30 =	simm.s32 $0x0;
	[smem:$0x7FF] =	sst s3  }
0x8: {  	v63 =	vlaneseq.u32;
	s2 =	sand.u32 $0x1, s2;
	s4 =	sshll.u32 s4, $0x1;
	s6 =	sadd.s32 $0x7200, s0  }
0x9: {  	v60 =	vmul.u32 $0x80, v63;
	_ =	strace $0x80000047;
	s7 =	sor.u32 s2, s4;
	s4 =	sadd.s32 $0xE00, s0  }
0xa: {  	s2 =	ssub.s32 $0x2, s2;
	[dreg:$0x3] =	wrdreg s6;
	s5 =	smul.u32 $0x1900, s7  }
0xb: {  	s8 =	sshrl.u32 s2, $0x1;
	s9 =	smul.u32 $0x19000, s7;
	s7 =	sadd.s32 $0x7400, s0;
	v61 =	vor.u32 $0x2800, v60;
	[tilespmem:$0x1FFA0] =	vst v60  }
.Ltmp0:
0xc: {  	v45 =	vor.u32 $0x3000, v60;
	s25 =	ssub.s32 s2, s8;
	[tilespmem:$0x1FFB0] =	vst v61;
	s8 =	sor.u32 $0xA0, s5;
	(pc) =	sbr.rel .LBB2_1-.Ltmp0, $4  }
0xd: {  	v4 =	vor.u32 $0x3800, v60;
	[tilespmem:$0x1FFC0] =	vst v45;
	s9 =	sadd.s32 s1, s9;
	s26 =	sshrl.u32 s5, $0x3;
	s13 =	sadd.s32 $0x140, s5  }
0xe: {  	v15 =	vor.u32 $0x4000, v60;
	[tilespmem:$0x1FFD0] =	vst v4;
	s14 =	sadd.s32 $0x1E0, s5;
	s15 =	smax.u32 s25, $0x1;
	s25 =	simm.s32 $0x4  }
0xf: {  	v7 =	vor.u32 $0x800, v60;
	v0 =	vor.u32 $0x4800, v60;
	[tilespmem:$0x1FFE0] =	vst v15;
	s11 =	sshll.u32 s8, $0x4;
	s10 =	sadd.s32 s4, s26;
	s31 =	sshrl.u32 s8, $0x3  }
0x10: {  	v8 =	vor.u32 $0x1000, v60;
	v9 =	vor.u32 $0x1800, v60;
	v10 =	vor.u32 $0x2000, v60;
	[tilespmem:$0x1FFF0] =	vst v0;
	s26 =	simm.s32 $0xF000;
	s11 =	sadd.s32 s1, s11;
	s12 =	sadd.s32 s4, s31  }
.LBB2_8:
0x11: {  	s30 =	sadd.s32 $0x1, s30  }
0x12: {  	_ =	swait.ge [sflag:s28], $0x5000;
	p0 =	sne.s32 s30, s15  }
.Ltmp1:
0x13: {  	[sflag:s28] =	ssyncset.done $0x0;
	(pc) =	sbr.rel @!p0 .LBB2_9-.Ltmp1, $4  }
0x14: {  	[sflag:s28] =	ssyncadd.s32 $0xFFFFB000  }
0x15: {  	_ =	swait.ge [sflag:s29], $0x5000  }
0x16: {  	[sflag:s29] =	ssyncset.done $0x0  }
0x17: {  	v45 =	vmovc v26;
	v4 =	vmov v27;
	v15 =	vmov v53;
	v0 =	vmov v54;
	[sflag:s29] =	ssyncadd.s32 $0xFFFFB000  }
.LBB2_1:
0x18: {  	s0 =	rddreg [dreg:$0x3]  }
0x19: {  	[tilespmem:s16], [sflag:$0x7] =	stream.linear.gather [hbm4b:s0+s3], $0x400, $0x38;
	[tilespmem:$0x14600] =	vst v63  }
0x1a: {  	_ =	swait.ge [sflag:s17], $0x400  }
0x1b: {  	[sflag:s17] =	ssyncset.done $0x0  }
0x1c: {  	[sflag:s17] =	ssyncadd.s32 $0xFFFFFC00  }
0x1d: {  	[tilespmem:s3], [sflag:$0x1] =	stream.linear.gather [hbm4b:s9+s3], $0x5000, $0x38;
	[tilespmem:$0x14600] =	vst v63  }
0x1e: {  	s18 =	simm.s32 $0x14000  }
0x1f: {  	[tilespmem:s18], [sflag:$0x3] =	stream.linear.gather [hbm4b:s10+s3], $0xA0, $0x38;
	[tilespmem:$0x14600] =	vst v63  }
0x20: {  	_ = 	snop  }
0x21: {  	[tilespmem:s19], [sflag:$0x2] =	stream.linear.gather [hbm4b:s11+s3], $0x5000, $0x38;
	[tilespmem:$0x14600] =	vst v63  }
0x22: {  	s31 =	simm.s32 $0x0  }
0x23: {  	[tilespmem:s20], [sflag:$0x4] =	stream.linear.gather [hbm4b:s12+s3], $0xA0, $0x38;
	[tilespmem:$0x14600] =	vst v63  }
.LBB2_2:
0x24: {  	_ =	swait.ge [sflag:s21], $0x5000  }
0x25: {  	[sflag:s21] =	ssyncset.done $0x0  }
0x26: {  	[sflag:s21] =	ssyncadd.s32 $0xFFFFB000  }
0x27: {  	_ =	swait.ge [sflag:s22], $0xA0  }
0x28: {  	p0 =	seq.s32 s31, $0x0;
	[sflag:s22] =	ssyncset.done $0x0  }
0x29: {  	s0 =	simm.s32 @!p0 $0x5;
	[sflag:s22] =	ssyncadd.s32 $0xFFFFFF60  }
0x2a: {  	_ =	swait.ge @!p0 [sflag:s0], $0x5000  }
0x2b: {  	[sflag:s0] =	ssyncset.done @!p0 $0x0  }
0x2c: {  	[sflag:s0] =	ssyncadd.s32 @!p0 $0xFFFFB000  }
0x2d: {  	v22 =	vld [tilespmem:$0x14060]  }
0x2e: {  	v23 =	vld [tilespmem:$0x14050]  }
0x2f: {  	s6 =	simm.s32 $0x0;
	v24 =	vld [tilespmem:$0x14090]  }
0x30: {  	v12 =	vadd.s32 s6, v63;
	v28 =	vld [tilespmem:$0x14010]  }
0x31: {  	v30 =	vand.u32 $0x7F, v12;
	v29 =	vld [tilespmem:$0x14000]  }
0x32: {  	v14 =	vor.u32 v0, v30;
	v31 =	vld [tilespmem:$0x14020]  }
0x33: {  	v40 =	vor.u32 v60, v30;
	v32 =	vld [tilespmem:$0x14030]  }
0x34: {  	v43 =	vor.u32 v8, v30;
	v33 =	vld [tilespmem:$0x14040]  }
0x35: {  	v46 =	vor.u32 v9, v30;
	v48 =	vor.u32 v7, v30;
	v34 =	vld [tilespmem:$0x14070]  }
0x36: {  	v53 =	vor.u32 v10, v30;
	v35 =	vld [tilespmem:$0x14080];
	v2 =	vshll.u32 v22, $0x7;
	v1 =	vshll.u32 v23, $0x7  }
0x37: {  	v42 =	vld.idx.msk [tilespmem:v14+s3+$0x0], $0xffff;
	v6 =	vshll.u32 v24, $0x7;
	v5 =	vshll.u32 v28, $0x7;
	v16 =	vor.u32 v2, v30  }
0x38: {  	v47 =	vld.idx.msk [tilespmem:v40+s3+$0x0], $0xffff;
	v12 =	vshll.u32 v29, $0x7;
	v13 =	vshll.u32 v31, $0x7;
	v17 =	vor.u32 v1, v30  }
0x39: {  	v49 =	vld.idx.msk [tilespmem:v43+s3+$0x0], $0xffff;
	v11 =	vshll.u32 v32, $0x7;
	v19 =	vshll.u32 v33, $0x7;
	v18 =	vor.u32 v6, v30  }
0x3a: {  	v54 =	vld.idx.msk [tilespmem:v46+s3+$0x0], $0xffff;
	v21 =	vshll.u32 v34, $0x7;
	vm0 =	vgt.s32 v24, $0x0;
	v20 =	vor.u32 v5, v30  }
0x3b: {  	v55 =	vld.idx.msk [tilespmem:v48+s3+$0x0], $0xffff;
	vm1 =	vgt.s32 v35, $0x0;
	vm2 =	vgt.s32 v34, $0x0;
	v24 =	vor.u32 v12, v30  }
0x3c: {  	vm3 =	vgt.s32 v22, $0x0;
	vm4 =	vgt.s32 v23, $0x0;
	v62 =	vor.u32 v11, v30;
	v3 =	vld.idx.msk [tilespmem:v16+s16+$0x0], $0xffff  }
0x3d: {  	vm5 =	vgt.s32 v33, $0x0;
	vm6 =	vgt.s32 v32, $0x0;
	vm7 =	vgt.s32 v31, $0x0;
	v44 =	vld.idx.msk [tilespmem:v17+s16+$0x0], $0xffff  }
0x3e: {  	s18 =	simm.s32 $0x1;
	vm8 =	vgt.s32 v28, $0x0;
	vm9 =	vgt.s32 v29, $0x0;
	v28 =	vor.u32 v19, v30;
	v36 =	vld.idx.msk [tilespmem:v18+s16+$0x0], $0xffff  }
0x3f: {  	v23 =	vadd.s32 s18, v63;
	v22 =	vor.u32 v13, v30;
	v16 =	vor.u32 v61, v30;
	v41 =	vld.idx.msk [tilespmem:v20+s16+$0x0], $0xffff  }
0x40: {  	v56 =	vor.u32 v21, v30;
	v58 =	vand.u32 $0x7F, v23;
	v17 =	vor.u32 v45, v30;
	v59 =	vld.idx.msk [tilespmem:v24+s16+$0x0], $0xffff  }
0x41: {  	[tilespmem:$0x1FF80] =	vst v12;
	v25 =	vmov v13;
	v23 =	vor.u32 v60, v58;
	v29 =	vor.u32 v12, v58;
	v60 =	vld.idx.msk [tilespmem:v62+s16+$0x0], $0xffff  }
0x42: {  	v38 =	vor.u32 v1, v58;
	v12 =	vmovc v1;
	v1 =	vmov v61;
	v18 =	vor.u32 v15, v30;
	v61 =	vld.idx.msk [tilespmem:v53+s3+$0x0], $0xffff  }
0x43: {  	v26 =	vmovc v19;
	v42 =	vnsel vm0, $0x0, v42;
	v62 =	vld.idx.msk [tilespmem:v28+s16+$0x0], $0xffff;
	[tilespmem:$0x1FF90] =	vst v3;
	v3 =	vshll.u32 v35, $0x7;
	v35 =	vor.u32 v4, v30  }
0x44: {  	v27 =	vmovc v21;
	v55 =	vnsel vm8, $0x0, v55;
	v32 =	vor.u32 v13, v58;
	v50 =	vld.idx.msk [tilespmem:v16+s3+$0x0], $0xffff;
	v57 =	vor.u32 v3, v30  }
0x45: {  	v31 =	vor.u32 v19, v58;
	v37 =	vor.u32 v5, v58;
	v34 =	vor.u32 v11, v58;
	v51 =	vld.idx.msk [tilespmem:v17+s3+$0x0], $0xffff  }
0x46: {  	v54 =	vnsel vm6, $0x0, v54;
	v39 =	vor.u32 v2, v58;
	v33 =	vor.u32 v21, v58;
	v19 =	vmovc v11;
	v30 =	vld.idx.msk [tilespmem:v22+s16+$0x0], $0xffff  }
0x47: {  	v11 =	vmovc v2;
	v24 =	vor.u32 v7, v58;
	v28 =	vnsel vm9, $0x0, v47;
	v52 =	vld.idx.msk [tilespmem:v18+s3+$0x0], $0xffff;
	v42 =	vadd.f32 v36, v42  }
0x48: {  	v2 =	vnsel vm7, $0x0, v49;
	v20 =	vmovc v3;
	v36 =	vor.u32 v3, v58;
	v3 =	vadd.f32 v59, v28;
	v59 =	vld.idx.msk [tilespmem:v35+s3+$0x0], $0xffff  }
0x49: {  	v13 =	vmovc v5;
	v41 =	vadd.f32 v41, v55;
	v54 =	vadd.f32 v60, v54;
	v47 =	vld.idx.msk [tilespmem:v57+s16+$0x0], $0xffff;
	v57 =	vnsel vm5, $0x0, v61  }
0x4a: {  	v21 =	vmovc v6;
	v22 =	vor.u32 v8, v58;
	v28 =	vor.u32 v9, v58;
	v61 =	vadd.f32 v62, v57;
	v62 =	vld [tilespmem:$0x1FF90]  }
0x4b: {  	v49 =	vld.idx.msk [tilespmem:v56+s16+$0x0], $0xffff;
	[tilespmem:v40+s23+$0x0] =	vst.idx.msk $0xffff, v3;
	v3 =	vadd.f32 v30, v2;
	v30 =	vor.u32 v10, v58  }
0x4c: {  	v56 =	vnsel vm4, $0x0, v50;
	v40 =	vor.u32 v0, v58;
	[tilespmem:v48+s23+$0x0] =	vst.idx.msk $0xffff, v41;
	v41 =	vor.u32 v6, v58  }
0x4d: {  	v60 =	vnsel vm3, $0x0, v51;
	v48 =	vadd.f32 v44, v56;
	v44 =	vor.u32 v1, v58;
	[tilespmem:v43+s23+$0x0] =	vst.idx.msk $0xffff, v3  }
0x4e: {  	v50 =	vnsel vm1, $0x0, v52;
	v43 =	vor.u32 v45, v58;
	v45 =	vor.u32 v15, v58;
	[tilespmem:v46+s23+$0x0] =	vst.idx.msk $0xffff, v54  }
0x4f: {  	s0 =	simm.s32 $0x2;
	v46 =	vor.u32 v4, v58;
	[tilespmem:v53+s23+$0x0] =	vst.idx.msk $0xffff, v61;
	v52 =	vnsel vm2, $0x0, v59;
	v51 =	vadd.f32 v62, v60  }
.LBB2_3:
0x50: {  	v49 =	vadd.f32 v49, v52;
	[tilespmem:v16+s23+$0x0] =	vst.idx.msk $0xffff, v48;
	v0 =	vld [tilespmem:$0x1FFA0]  }
0x51: {  	v61 =	vadd.f32 v47, v50;
	v4 =	vld [tilespmem:$0x1FFB0];
	[tilespmem:v17+s23+$0x0] =	vst.idx.msk $0xffff, v51  }
0x52: {  	v6 =	vld [tilespmem:$0x1FFC0];
	[tilespmem:v35+s23+$0x0] =	vst.idx.msk $0xffff, v49  }
0x53: {  	s2 =	smov.u32 s0;
	v15 =	vld [tilespmem:$0x1FFD0];
	[tilespmem:v18+s23+$0x0] =	vst.idx.msk $0xffff, v61  }
0x54: {  	v62 =	vadd.s32 s2, v63;
	v63 =	vld [tilespmem:$0x1FF80];
	[tilespmem:v14+s23+$0x0] =	vst.idx.msk $0xffff, v42  }
0x55: {  	v51 =	vld.idx.msk [tilespmem:v39+s16+$0x0], $0xffff  }
0x56: {  	v16 =	vmov v44;
	v14 =	vmov v40;
	v40 =	vld.idx.msk [tilespmem:v38+s16+$0x0], $0xffff  }
0x57: {  	v42 =	vld.idx.msk [tilespmem:v41+s16+$0x0], $0xffff  }
0x58: {  	v54 =	vld.idx.msk [tilespmem:v37+s16+$0x0], $0xffff  }
0x59: {  	v17 =	vmov v43;
	v48 =	vld.idx.msk [tilespmem:v23+s3+$0x0], $0xffff  }
0x5a: {  	v50 =	vld.idx.msk [tilespmem:v22+s3+$0x0], $0xffff  }
0x5b: {  	v18 =	vmov v45;
	v45 =	vand.u32 $0x7F, v62;
	v58 =	vld.idx.msk [tilespmem:v16+s3+$0x0], $0xffff  }
0x5c: {  	v52 =	vor.u32 v0, v45;
	v0 =	vld.idx.msk [tilespmem:v24+s3+$0x0], $0xffff  }
0x5d: {  	v2 =	vld.idx.msk [tilespmem:v29+s16+$0x0], $0xffff  }
0x5e: {  	v43 =	vor.u32 v63, v45;
	v60 =	vld.idx.msk [tilespmem:v17+s3+$0x0], $0xffff  }
0x5f: {  	v29 =	vmov v43;
	v43 =	vor.u32 v6, v45;
	v6 =	vld [tilespmem:$0x1FFF0]  }
0x60: {  	v3 =	vld.idx.msk [tilespmem:v14+s3+$0x0], $0xffff  }
0x61: {  	v35 =	vmov v46;
	v53 =	vor.u32 v7, v45;
	v44 =	vor.u32 v25, v45;
	v63 =	vld.idx.msk [tilespmem:v28+s3+$0x0], $0xffff  }
0x62: {  	v55 =	vor.u32 v8, v45;
	v46 =	vor.u32 v26, v45;
	v49 =	vor.u32 v19, v45;
	v62 =	vld.idx.msk [tilespmem:v18+s3+$0x0], $0xffff  }
0x63: {  	v56 =	vor.u32 v27, v45;
	v1 =	vnsel vm9, $0x0, v48;
	v48 =	vnsel vm4, $0x0, v58;
	v58 =	vld.idx.msk [tilespmem:v34+s16+$0x0], $0xffff  }
0x64: {  	v57 =	vor.u32 v20, v45;
	v48 =	vadd.f32 v40, v48;
	v40 =	vor.u32 v6, v45;
	v6 =	vld.idx.msk [tilespmem:v31+s16+$0x0], $0xffff  }
0x65: {  	v59 =	vor.u32 v9, v45;
	v61 =	vor.u32 v10, v45;
	v47 =	vnsel vm0, $0x0, v3;
	v3 =	vld.idx.msk [tilespmem:v32+s16+$0x0], $0xffff  }
0x66: {  	v37 =	vor.u32 v13, v45;
	v32 =	vmov v44;
	v44 =	vor.u32 v4, v45;
	v4 =	vld.idx.msk [tilespmem:v30+s3+$0x0], $0xffff  }
0x67: {  	v38 =	vor.u32 v12, v45;
	v39 =	vor.u32 v11, v45;
	v31 =	vmovc v46;
	v46 =	vor.u32 v15, v45;
	v15 =	vld [tilespmem:$0x1FFE0]  }
0x68: {  	v0 =	vnsel vm8, $0x0, v0;
	v1 =	vadd.f32 v2, v1;
	v42 =	vadd.f32 v42, v47;
	v47 =	vld.idx.msk [tilespmem:v36+s16+$0x0], $0xffff  }
0x69: {  	p1 =	sne.s32 s0, $0x7F;
	v34 =	vmovc v49;
	v5 =	vnsel vm7, $0x0, v50;
	v0 =	vadd.f32 v54, v0;
	v36 =	vmov v57;
	v57 =	vld.idx.msk [tilespmem:v35+s3+$0x0], $0xffff  }
.Ltmp2:
0x6a: {  	v49 =	vld.idx.msk [tilespmem:v33+s16+$0x0], $0xffff;
	v60 =	vnsel vm3, $0x0, v60;
	v2 =	vnsel vm6, $0x0, v63;
	[tilespmem:v23+s23+$0x0] =	vst.idx.msk $0xffff, v1;
	v3 =	vadd.f32 v3, v5;
	(pc) =	sbr.rel @p1 .LBB2_3-.Ltmp2, $4  }
0x6b: {  	v51 =	vadd.f32 v51, v60;
	v2 =	vadd.f32 v58, v2;
	[tilespmem:v24+s23+$0x0] =	vst.idx.msk $0xffff, v0;
	v60 =	vnsel vm5, $0x0, v4  }
0x6c: {  	v41 =	vor.u32 v21, v45;
	v50 =	vnsel vm1, $0x0, v62;
	v62 =	vadd.f32 v6, v60;
	[tilespmem:v22+s23+$0x0] =	vst.idx.msk $0xffff, v3  }
0x6d: {  	v33 =	vmovc v56;
	v63 =	vlaneseq.u32;
	v23 =	vmov v52;
	v45 =	vor.u32 v15, v45;
	[tilespmem:v28+s23+$0x0] =	vst.idx.msk $0xffff, v2  }
0x6e: {  	s0 =	sadd.s32 $0x1, s0;
	v24 =	vmovc v53;
	v52 =	vnsel vm2, $0x0, v57;
	v22 =	vmovc v55;
	v28 =	vmov v59;
	[tilespmem:v30+s23+$0x0] =	vst.idx.msk $0xffff, v62;
	v30 =	vmov v61  }
0x6f: {  	_ =	sdelay $0x3  }
0x70: {  	v0 =	vadd.f32 v49, v52;
	[tilespmem:v16+s23+$0x0] =	vst.idx.msk $0xffff, v48  }
0x71: {  	v1 =	vadd.f32 v47, v50;
	[tilespmem:v17+s23+$0x0] =	vst.idx.msk $0xffff, v51  }
0x72: {  	[tilespmem:v35+s23+$0x0] =	vst.idx.msk $0xffff, v0  }
0x73: {  	[tilespmem:v18+s23+$0x0] =	vst.idx.msk $0xffff, v1  }
0x74: {  	[tilespmem:v14+s23+$0x0] =	vst.idx.msk $0xffff, v42  }
0x75: {  	v0 =	vld.idx.msk [tilespmem:v39+s16+$0x0], $0xffff  }
0x76: {  	v1 =	vld.idx.msk [tilespmem:v38+s16+$0x0], $0xffff  }
0x77: {  	v2 =	vld.idx.msk [tilespmem:v41+s16+$0x0], $0xffff  }
0x78: {  	v3 =	vld.idx.msk [tilespmem:v37+s16+$0x0], $0xffff  }
0x79: {  	v4 =	vld.idx.msk [tilespmem:v40+s3+$0x0], $0xffff  }
0x7a: {  	v5 =	vld.idx.msk [tilespmem:v23+s3+$0x0], $0xffff  }
0x7b: {  	v6 =	vld.idx.msk [tilespmem:v22+s3+$0x0], $0xffff  }
0x7c: {  	v11 =	vld.idx.msk [tilespmem:v44+s3+$0x0], $0xffff  }
0x7d: {  	v12 =	vld.idx.msk [tilespmem:v43+s3+$0x0], $0xffff  }
0x7e: {  	v26 =	vld.idx.msk [tilespmem:v45+s3+$0x0], $0xffff  }
0x7f: {  	v14 =	vld.idx.msk [tilespmem:v28+s3+$0x0], $0xffff  }
0x80: {  	v25 =	vld.idx.msk [tilespmem:v24+s3+$0x0], $0xffff  }
0x81: {  	v16 =	vld.idx.msk [tilespmem:v29+s16+$0x0], $0xffff  }
0x82: {  	v17 =	vld.idx.msk [tilespmem:v32+s16+$0x0], $0xffff  }
0x83: {  	v18 =	vld.idx.msk [tilespmem:v34+s16+$0x0], $0xffff  }
0x84: {  	v29 =	vld.idx.msk [tilespmem:v30+s3+$0x0], $0xffff  }
0x85: {  	v31 =	vld.idx.msk [tilespmem:v31+s16+$0x0], $0xffff;
	v5 =	vnsel vm9, $0x0, v5  }
0x86: {  	v21 =	vld.idx.msk [tilespmem:v36+s16+$0x0], $0xffff;
	v27 =	vnsel vm8, $0x0, v25;
	v5 =	vadd.f32 v16, v5  }
0x87: {  	v25 =	vld.idx.msk [tilespmem:v46+s3+$0x0], $0xffff;
	v6 =	vnsel vm7, $0x0, v6;
	v3 =	vadd.f32 v3, v27  }
0x88: {  	v14 =	vnsel vm6, $0x0, v14;
	v16 =	vld.idx.msk [tilespmem:v33+s16+$0x0], $0xffff;
	v6 =	vadd.f32 v17, v6;
	[tilespmem:v23+s23+$0x0] =	vst.idx.msk $0xffff, v5  }
0x89: {  	v5 =	vadd.f32 v18, v14;
	v14 =	vnsel vm5, $0x0, v29;
	[tilespmem:v24+s23+$0x0] =	vst.idx.msk $0xffff, v3  }
0x8a: {  	v42 =	vnsel vm4, $0x0, v11;
	v11 =	vadd.f32 v31, v14;
	[tilespmem:v22+s23+$0x0] =	vst.idx.msk $0xffff, v6  }
0x8b: {  	v47 =	vnsel vm3, $0x0, v12;
	v1 =	vadd.f32 v1, v42;
	[tilespmem:v28+s23+$0x0] =	vst.idx.msk $0xffff, v5  }
0x8c: {  	v0 =	vadd.f32 v0, v47;
	v48 =	vnsel vm2, $0x0, v25;
	[tilespmem:v30+s23+$0x0] =	vst.idx.msk $0xffff, v11  }
0x8d: {  	s0 =	smul.u32 $0x140, s31;
	v5 =	vnsel vm1, $0x0, v26;
	v3 =	vadd.f32 v16, v48;
	[tilespmem:v44+s23+$0x0] =	vst.idx.msk $0xffff, v1  }
0x8e: {  	v49 =	vnsel vm0, $0x0, v4;
	v4 =	vadd.f32 v21, v5;
	[tilespmem:v43+s23+$0x0] =	vst.idx.msk $0xffff, v0  }
0x8f: {  	s2 =	sadd.s32 s5, s0;
	v50 =	vadd.f32 v2, v49;
	[tilespmem:v46+s23+$0x0] =	vst.idx.msk $0xffff, v3  }
0x90: {  	s2 =	sshll.u32 s2, $0x4;
	[tilespmem:v45+s23+$0x0] =	vst.idx.msk $0xffff, v4  }
0x91: {  	p1 =	seq.s32 s31, $0x13;
	s2 =	sadd.s32 s7, s2;
	[tilespmem:v40+s23+$0x0] =	vst.idx.msk $0xffff, v50  }
0x92: {  	[hbm4b:s2+s3] =	stream.linear.scatter [tilespmem:s23], [sflag:$0x5], $0x5000, $0x38;
	[tilespmem:$0x14600] =	vst v63  }
0x93: {  	s2 =	sadd.s32 @!p1 s0, s13  }
0x94: {  	s18 =	sshll.u32 @!p1 s2, $0x4  }
0x95: {  	s6 =	simm.s32 @!p1 $0x0;
	s2 =	sshrl.u32 @!p1 s2, $0x3;
	s18 =	sadd.s32 @!p1 s1, s18  }
0x96: {  	[tilespmem:s6], [sflag:$0x1] =	stream.linear.gather @!p1 [hbm4b:s18+s6], $0x5000, $0x38;
	[tilespmem:$0x14600] =	vst v63  }
0x97: {  	s2 =	sadd.s32 @!p1 s4, s2;
	s18 =	simm.s32 @!p1 $0x14000  }
0x98: {  	[tilespmem:s18], [sflag:$0x3] =	stream.linear.gather @!p1 [hbm4b:s2+s6], $0xA0, $0x38;
	[tilespmem:$0x14600] =	vst v63  }
0x99: {  	_ =	swait.ge [sflag:s24], $0x5000  }
0x9a: {  	[sflag:s24] =	ssyncset.done $0x0  }
0x9b: {  	[sflag:s24] =	ssyncadd.s32 $0xFFFFB000  }
0x9c: {  	_ =	swait.ge [sflag:s25], $0xA0  }
0x9d: {  	[sflag:s25] =	ssyncset.done $0x0  }
0x9e: {  	s2 =	simm.s32 @!p0 $0x6;
	[sflag:s25] =	ssyncadd.s32 $0xFFFFFF60  }
0x9f: {  	_ =	swait.ge @!p0 [sflag:s2], $0x5000  }
0xa0: {  	v59 =	vld [tilespmem:$0x1FFF0]  }
0xa1: {  	v60 =	vld [tilespmem:$0x1FFA0]  }
0xa2: {  	v61 =	vld [tilespmem:$0x1FFB0]  }
0xa3: {  	[sflag:s2] =	ssyncset.done @!p0 $0x0;
	v56 =	vld [tilespmem:$0x1FFC0]  }
0xa4: {  	v58 =	vld [tilespmem:$0x1FFE0];
	[sflag:s2] =	ssyncadd.s32 @!p0 $0xFFFFB000  }
0xa5: {  	v0 =	vld [tilespmem:$0x14160]  }
0xa6: {  	v1 =	vld [tilespmem:$0x14150]  }
0xa7: {  	s6 =	simm.s32 $0x0;
	v51 =	vld [tilespmem:$0x14190]  }
0xa8: {  	v4 =	vadd.s32 s6, v63;
	v3 =	vld [tilespmem:$0x14110]  }
0xa9: {  	v4 =	vand.u32 $0x7F, v4;
	v5 =	vld [tilespmem:$0x14100]  }
0xaa: {  	v40 =	vor.u32 v8, v4;
	v6 =	vld [tilespmem:$0x14120]  }
0xab: {  	v2 =	vor.u32 v7, v4;
	v22 =	vld [tilespmem:$0x14130]  }
0xac: {  	v44 =	vor.u32 v9, v4;
	v23 =	vld [tilespmem:$0x14140]  }
0xad: {  	v24 =	vld [tilespmem:$0x14170];
	v14 =	vor.u32 v59, v4  }
0xae: {  	v28 =	vld [tilespmem:$0x14180];
	v30 =	vor.u32 v60, v4;
	v12 =	vshll.u32 v0, $0x7  }
0xaf: {  	v46 =	vld.idx.msk [tilespmem:v40+s19+$0x0], $0xffff;
	v13 =	vshll.u32 v3, $0x7;
	vm8 =	vgt.s32 v3, $0x0;
	v3 =	vor.u32 v10, v4  }
0xb0: {  	v49 =	vld.idx.msk [tilespmem:v2+s19+$0x0], $0xffff;
	v21 =	vshll.u32 v1, $0x7;
	v57 =	vshll.u32 v51, $0x7;
	v16 =	vor.u32 v12, v4  }
0xb1: {  	v19 =	vshll.u32 v6, $0x7;
	vm7 =	vgt.s32 v6, $0x0;
	v6 =	vld.idx.msk [tilespmem:v44+s19+$0x0], $0xffff;
	v17 =	vor.u32 v21, v4  }
0xb2: {  	v18 =	vor.u32 v57, v4;
	v33 =	vld.idx.msk [tilespmem:v14+s19+$0x0], $0xffff  }
0xb3: {  	v15 =	vshll.u32 v5, $0x7;
	v11 =	vor.u32 v13, v4;
	v42 =	vld.idx.msk [tilespmem:v30+s19+$0x0], $0xffff  }
0xb4: {  	v34 =	vshll.u32 v22, $0x7;
	v26 =	vshll.u32 v23, $0x7;
	v55 =	vshll.u32 v24, $0x7;
	v54 =	vld.idx.msk [tilespmem:v3+s19+$0x0], $0xffff  }
0xb5: {  	v62 =	vshll.u32 v28, $0x7;
	vm2 =	vgt.s32 v24, $0x0;
	v24 =	vor.u32 v15, v4;
	v45 =	vld.idx.msk [tilespmem:v16+s16+$0x0], $0xffff  }
0xb6: {  	vm0 =	vgt.s32 v51, $0x0;
	vm1 =	vgt.s32 v28, $0x0;
	v39 =	vor.u32 v19, v4;
	v43 =	vld.idx.msk [tilespmem:v17+s16+$0x0], $0xffff  }
0xb7: {  	vm3 =	vgt.s32 v0, $0x0;
	vm9 =	vgt.s32 v5, $0x0;
	v5 =	vor.u32 v26, v4;
	v36 =	vld.idx.msk [tilespmem:v18+s16+$0x0], $0xffff  }
0xb8: {  	s18 =	simm.s32 $0x1;
	vm4 =	vgt.s32 v1, $0x0;
	vm6 =	vgt.s32 v22, $0x0;
	v47 =	vor.u32 v62, v4;
	v41 =	vld.idx.msk [tilespmem:v11+s16+$0x0], $0xffff  }
0xb9: {  	v22 =	vadd.s32 s18, v63;
	v28 =	vor.u32 v34, v4;
	[tilespmem:$0x1FF60] =	vst v15;
	v16 =	vor.u32 v61, v4;
	v11 =	vld [tilespmem:$0x1FFD0]  }
0xba: {  	vm5 =	vgt.s32 v23, $0x0;
	v51 =	vor.u32 v55, v4;
	v52 =	vand.u32 $0x7F, v22;
	[tilespmem:$0x1FF70] =	vst v19;
	v27 =	vmovc v26;
	v53 =	vld.idx.msk [tilespmem:v24+s16+$0x0], $0xffff  }
0xbb: {  	v20 =	vmovc v55;
	v25 =	vmov v62;
	v23 =	vor.u32 v60, v52;
	v17 =	vor.u32 v56, v4;
	v0 =	vld.idx.msk [tilespmem:v39+s16+$0x0], $0xffff  }
0xbc: {  	v29 =	vor.u32 v15, v52;
	v32 =	vor.u32 v19, v52;
	v18 =	vor.u32 v58, v4;
	v5 =	vld.idx.msk [tilespmem:v5+s16+$0x0], $0xffff  }
0xbd: {  	v22 =	vor.u32 v8, v52;
	v31 =	vor.u32 v26, v52;
	v37 =	vor.u32 v13, v52;
	v47 =	vld.idx.msk [tilespmem:v47+s16+$0x0], $0xffff  }
0xbe: {  	v46 =	vnsel vm7, $0x0, v46;
	v38 =	vor.u32 v21, v52;
	v19 =	vmovc v13;
	v48 =	vld.idx.msk [tilespmem:v16+s19+$0x0], $0xffff;
	v35 =	vor.u32 v11, v4  }
0xbf: {  	v26 =	vmovc v34;
	v34 =	vor.u32 v34, v52;
	v6 =	vnsel vm6, $0x0, v6;
	v24 =	vor.u32 v7, v52;
	v4 =	vld.idx.msk [tilespmem:v28+s16+$0x0], $0xffff  }
0xc0: {  	v13 =	vmovc v21;
	v39 =	vor.u32 v12, v52;
	v1 =	vld.idx.msk [tilespmem:v17+s19+$0x0], $0xffff;
	v28 =	vnsel vm0, $0x0, v33;
	v33 =	vor.u32 v55, v52  }
0xc1: {  	v21 =	vmovc v12;
	v50 =	vld.idx.msk [tilespmem:v18+s19+$0x0], $0xffff;
	v55 =	vnsel vm9, $0x0, v42;
	v0 =	vadd.f32 v0, v46;
	v46 =	vor.u32 v11, v52  }
0xc2: {  	v15 =	vmovc v57;
	v42 =	vadd.f32 v36, v28;
	v28 =	vnsel vm8, $0x0, v49;
	v53 =	vadd.f32 v53, v55;
	v49 =	vld.idx.msk [tilespmem:v51+s16+$0x0], $0xffff  }
0xc3: {  	v36 =	vor.u32 v62, v52;
	v41 =	vadd.f32 v41, v28;
	v28 =	vor.u32 v9, v52;
	v55 =	vld.idx.msk [tilespmem:v35+s19+$0x0], $0xffff  }
0xc4: {  	[tilespmem:v30+s26+$0x0] =	vst.idx.msk $0xffff, v53;
	v30 =	vor.u32 v10, v52;
	v53 =	vadd.f32 v4, v6;
	v4 =	vnsel vm4, $0x0, v48  }
0xc5: {  	v62 =	vnsel vm5, $0x0, v54;
	[tilespmem:v2+s26+$0x0] =	vst.idx.msk $0xffff, v41;
	v41 =	vor.u32 v57, v52;
	v48 =	vadd.f32 v43, v4  }
0xc6: {  	v1 =	vnsel vm3, $0x0, v1;
	v43 =	vor.u32 v61, v52;
	[tilespmem:v40+s26+$0x0] =	vst.idx.msk $0xffff, v0;
	v0 =	vadd.f32 v5, v62  }
0xc7: {  	v50 =	vnsel vm1, $0x0, v50;
	v51 =	vadd.f32 v45, v1;
	v45 =	vor.u32 v58, v52;
	[tilespmem:v44+s26+$0x0] =	vst.idx.msk $0xffff, v53  }
0xc8: {  	s2 =	simm.s32 $0x2;
	v40 =	vor.u32 v59, v52;
	v44 =	vor.u32 v56, v52;
	[tilespmem:v3+s26+$0x0] =	vst.idx.msk $0xffff, v0;
	v52 =	vnsel vm2, $0x0, v55  }
.LBB2_5:
0xc9: {  	v0 =	vadd.f32 v49, v52;
	[tilespmem:v16+s26+$0x0] =	vst.idx.msk $0xffff, v48  }
0xca: {  	v1 =	vadd.f32 v47, v50;
	[tilespmem:v17+s26+$0x0] =	vst.idx.msk $0xffff, v51  }
0xcb: {  	v4 =	vld [tilespmem:$0x1FF60];
	[tilespmem:v35+s26+$0x0] =	vst.idx.msk $0xffff, v0  }
0xcc: {  	v11 =	vld [tilespmem:$0x1FF70];
	[tilespmem:v18+s26+$0x0] =	vst.idx.msk $0xffff, v1  }
0xcd: {  	v47 =	vld [tilespmem:$0x1FFF0];
	[tilespmem:v14+s26+$0x0] =	vst.idx.msk $0xffff, v42  }
0xce: {  	v17 =	vmov v44;
	v1 =	vld.idx.msk [tilespmem:v39+s16+$0x0], $0xffff  }
0xcf: {  	v2 =	vld.idx.msk [tilespmem:v38+s16+$0x0], $0xffff  }
0xd0: {  	v16 =	vmov v43;
	v5 =	vld.idx.msk [tilespmem:v41+s16+$0x0], $0xffff  }
0xd1: {  	v14 =	vmov v40;
	v62 =	vld.idx.msk [tilespmem:v23+s19+$0x0], $0xffff  }
0xd2: {  	v35 =	vmov v46;
	v46 =	vld.idx.msk [tilespmem:v22+s19+$0x0], $0xffff  }
0xd3: {  	v50 =	vld.idx.msk [tilespmem:v17+s19+$0x0], $0xffff  }
0xd4: {  	s6 =	smov.u32 s2;
	v51 =	vld.idx.msk [tilespmem:v37+s16+$0x0], $0xffff  }
0xd5: {  	v59 =	vadd.s32 s6, v63;
	v63 =	vld.idx.msk [tilespmem:v16+s19+$0x0], $0xffff  }
0xd6: {  	v0 =	vand.u32 $0x7F, v59;
	v42 =	vld.idx.msk [tilespmem:v14+s19+$0x0], $0xffff  }
0xd7: {  	v12 =	vmov v61;
	v43 =	vor.u32 v61, v0;
	v61 =	vnsel vm7, $0x0, v46;
	v46 =	vld [tilespmem:$0x1FFC0]  }
0xd8: {  	v18 =	vmovc v45;
	v3 =	vor.u32 v60, v0;
	v59 =	vnsel vm9, $0x0, v62;
	v62 =	vnsel vm3, $0x0, v50;
	v50 =	vld [tilespmem:$0x1FFD0]  }
0xd9: {  	v6 =	vor.u32 v7, v0;
	v52 =	vor.u32 v8, v0;
	v54 =	vor.u32 v9, v0;
	v57 =	vld.idx.msk [tilespmem:v28+s19+$0x0], $0xffff  }
0xda: {  	v55 =	vor.u32 v10, v0;
	v40 =	vor.u32 v11, v0;
	v58 =	vld.idx.msk [tilespmem:v24+s19+$0x0], $0xffff;
	v11 =	vmov v10  }
0xdb: {  	v10 =	vmovc v9;
	v9 =	vmovc v8;
	v8 =	vmov v7;
	v7 =	vmov v60;
	v60 =	vld.idx.msk [tilespmem:v34+s16+$0x0], $0xffff;
	v42 =	vnsel vm0, $0x0, v42  }
0xdc: {  	v44 =	vor.u32 v26, v0;
	v42 =	vadd.f32 v5, v42;
	v5 =	vld.idx.msk [tilespmem:v29+s16+$0x0], $0xffff  }
0xdd: {  	v34 =	vmov v44;
	v44 =	vor.u32 v46, v0;
	v46 =	vor.u32 v50, v0;
	v50 =	vld [tilespmem:$0x1FFE0]  }
0xde: {  	v45 =	vor.u32 v27, v0;
	v53 =	vor.u32 v20, v0;
	v4 =	vor.u32 v4, v0;
	v56 =	vld.idx.msk [tilespmem:v18+s19+$0x0], $0xffff  }
0xdf: {  	v49 =	vor.u32 v25, v0;
	v37 =	vor.u32 v19, v0;
	v48 =	vnsel vm4, $0x0, v63;
	v29 =	vmovc v4;
	v4 =	vld.idx.msk [tilespmem:v32+s16+$0x0], $0xffff  }
0xe0: {  	v38 =	vor.u32 v13, v0;
	v39 =	vor.u32 v21, v0;
	v48 =	vadd.f32 v2, v48;
	v2 =	vld.idx.msk [tilespmem:v30+s19+$0x0], $0xffff  }
0xe1: {  	v41 =	vor.u32 v15, v0;
	v63 =	vld.idx.msk [tilespmem:v31+s16+$0x0], $0xffff;
	v32 =	vmov v40;
	v40 =	vor.u32 v47, v0  }
0xe2: {  	v31 =	vmovc v45;
	v47 =	vld.idx.msk [tilespmem:v36+s16+$0x0], $0xffff;
	v5 =	vadd.f32 v5, v59;
	v45 =	vor.u32 v50, v0;
	v0 =	vnsel vm8, $0x0, v58  }
0xe3: {  	p0 =	sne.s32 s2, $0x7F;
	v57 =	vnsel vm6, $0x0, v57;
	v58 =	vld.idx.msk [tilespmem:v35+s19+$0x0], $0xffff;
	v0 =	vadd.f32 v51, v0  }
.Ltmp3:
0xe4: {  	v36 =	vmov v49;
	v49 =	vld.idx.msk [tilespmem:v33+s16+$0x0], $0xffff;
	v33 =	vmov v53;
	v4 =	vadd.f32 v4, v61;
	[tilespmem:v23+s26+$0x0] =	vst.idx.msk $0xffff, v5;
	(pc) =	sbr.rel @p0 .LBB2_5-.Ltmp3, $4  }
0xe5: {  	v61 =	vmovc v12;
	v50 =	vnsel vm1, $0x0, v56;
	v56 =	vadd.f32 v60, v57;
	v57 =	vnsel vm5, $0x0, v2;
	[tilespmem:v24+s26+$0x0] =	vst.idx.msk $0xffff, v0  }
0xe6: {  	v60 =	vmovc v7;
	v7 =	vmov v8;
	v8 =	vmov v9;
	v59 =	vadd.f32 v63, v57;
	[tilespmem:v22+s26+$0x0] =	vst.idx.msk $0xffff, v4  }
0xe7: {  	v9 =	vmovc v10;
	v10 =	vmovc v11;
	v51 =	vadd.f32 v1, v62;
	v23 =	vmov v3;
	v63 =	vlaneseq.u32;
	[tilespmem:v28+s26+$0x0] =	vst.idx.msk $0xffff, v56  }
0xe8: {  	s2 =	sadd.s32 $0x1, s2;
	v24 =	vmovc v6;
	v22 =	vmovc v52;
	v28 =	vmov v54;
	v52 =	vnsel vm2, $0x0, v58;
	[tilespmem:v30+s26+$0x0] =	vst.idx.msk $0xffff, v59;
	v30 =	vmov v55  }
0xe9: {  	_ =	sdelay $0x3  }
0xea: {  	v0 =	vadd.f32 v49, v52;
	[tilespmem:v16+s26+$0x0] =	vst.idx.msk $0xffff, v48  }
0xeb: {  	v1 =	vadd.f32 v47, v50;
	[tilespmem:v17+s26+$0x0] =	vst.idx.msk $0xffff, v51  }
0xec: {  	[tilespmem:v35+s26+$0x0] =	vst.idx.msk $0xffff, v0  }
0xed: {  	[tilespmem:v18+s26+$0x0] =	vst.idx.msk $0xffff, v1  }
0xee: {  	[tilespmem:v14+s26+$0x0] =	vst.idx.msk $0xffff, v42  }
0xef: {  	v0 =	vld.idx.msk [tilespmem:v39+s16+$0x0], $0xffff  }
0xf0: {  	v1 =	vld.idx.msk [tilespmem:v38+s16+$0x0], $0xffff  }
0xf1: {  	v2 =	vld.idx.msk [tilespmem:v41+s16+$0x0], $0xffff  }
0xf2: {  	v3 =	vld.idx.msk [tilespmem:v37+s16+$0x0], $0xffff  }
0xf3: {  	v4 =	vld.idx.msk [tilespmem:v40+s19+$0x0], $0xffff  }
0xf4: {  	v5 =	vld.idx.msk [tilespmem:v23+s19+$0x0], $0xffff  }
0xf5: {  	v6 =	vld.idx.msk [tilespmem:v22+s19+$0x0], $0xffff  }
0xf6: {  	v11 =	vld.idx.msk [tilespmem:v43+s19+$0x0], $0xffff  }
0xf7: {  	v12 =	vld.idx.msk [tilespmem:v44+s19+$0x0], $0xffff  }
0xf8: {  	v13 =	vld.idx.msk [tilespmem:v45+s19+$0x0], $0xffff  }
0xf9: {  	v14 =	vld.idx.msk [tilespmem:v28+s19+$0x0], $0xffff  }
0xfa: {  	v15 =	vld.idx.msk [tilespmem:v24+s19+$0x0], $0xffff  }
0xfb: {  	v16 =	vld.idx.msk [tilespmem:v29+s16+$0x0], $0xffff  }
0xfc: {  	v17 =	vld.idx.msk [tilespmem:v32+s16+$0x0], $0xffff  }
0xfd: {  	v18 =	vld.idx.msk [tilespmem:v34+s16+$0x0], $0xffff  }
0xfe: {  	v19 =	vld.idx.msk [tilespmem:v30+s19+$0x0], $0xffff  }
0xff: {  	v20 =	vld.idx.msk [tilespmem:v31+s16+$0x0], $0xffff;
	v5 =	vnsel vm9, $0x0, v5  }
0x100: {  	v21 =	vld.idx.msk [tilespmem:v36+s16+$0x0], $0xffff;
	v15 =	vnsel vm8, $0x0, v15;
	v5 =	vadd.f32 v16, v5  }
0x101: {  	v25 =	vld.idx.msk [tilespmem:v46+s19+$0x0], $0xffff;
	v6 =	vnsel vm7, $0x0, v6;
	v3 =	vadd.f32 v3, v15  }
0x102: {  	v52 =	vld.idx.msk [tilespmem:v33+s16+$0x0], $0xffff;
	v14 =	vnsel vm6, $0x0, v14;
	v6 =	vadd.f32 v17, v6;
	[tilespmem:v23+s26+$0x0] =	vst.idx.msk $0xffff, v5  }
0x103: {  	v55 =	vnsel vm5, $0x0, v19;
	v5 =	vadd.f32 v18, v14;
	[tilespmem:v24+s26+$0x0] =	vst.idx.msk $0xffff, v3  }
0x104: {  	v56 =	vnsel vm4, $0x0, v11;
	v11 =	vadd.f32 v20, v55;
	[tilespmem:v22+s26+$0x0] =	vst.idx.msk $0xffff, v6  }
0x105: {  	v57 =	vnsel vm3, $0x0, v12;
	v1 =	vadd.f32 v1, v56;
	[tilespmem:v28+s26+$0x0] =	vst.idx.msk $0xffff, v5  }
0x106: {  	v58 =	vnsel vm2, $0x0, v25;
	v0 =	vadd.f32 v0, v57;
	[tilespmem:v30+s26+$0x0] =	vst.idx.msk $0xffff, v11  }
0x107: {  	v3 =	vadd.f32 v52, v58;
	v5 =	vnsel vm1, $0x0, v13;
	[tilespmem:v43+s26+$0x0] =	vst.idx.msk $0xffff, v1  }
.Ltmp4:
0x108: {  	v59 =	vnsel vm0, $0x0, v4;
	v4 =	vadd.f32 v21, v5;
	[tilespmem:v44+s26+$0x0] =	vst.idx.msk $0xffff, v0;
	(pc) =	sbr.rel @p1 .LBB2_8-.Ltmp4, $4  }
0x109: {  	v54 =	vld [tilespmem:$0x1FFF0];
	s2 =	sadd.s32 s0, s8;
	v62 =	vadd.f32 v2, v59;
	[tilespmem:v46+s26+$0x0] =	vst.idx.msk $0xffff, v3  }
0x10a: {  	v53 =	vld [tilespmem:$0x1FFE0];
	s2 =	sshll.u32 s2, $0x4;
	[tilespmem:v45+s26+$0x0] =	vst.idx.msk $0xffff, v4  }
0x10b: {  	v27 =	vld [tilespmem:$0x1FFD0];
	s2 =	sadd.s32 s7, s2;
	[tilespmem:v40+s26+$0x0] =	vst.idx.msk $0xffff, v62  }
0x10c: {  	v26 =	vld [tilespmem:$0x1FFC0];
	[hbm4b:s2+s3] =	stream.linear.scatter [tilespmem:s26], [sflag:$0x6], $0x5000, $0x38  }
0x10d: {  	s0 =	sadd.s32 s0, s14  }
.Ltmp5:
0x10e: {  	s2 =	sshll.u32 s0, $0x4;
	(pc) =	sbr.rel .LBB2_2-.Ltmp5, $4  }
0x10f: {  	s0 =	sshrl.u32 s0, $0x3;
	s2 =	sadd.s32 s1, s2  }
0x110: {  	[tilespmem:s19], [sflag:$0x2] =	stream.linear.gather [hbm4b:s2+s3], $0x5000, $0x38;
	[tilespmem:$0x14600] =	vst v63  }
0x111: {  	s31 =	sadd.s32 $0x1, s31;
	s0 =	sadd.s32 s4, s0  }
0x112: {  	v0 =	vmovc v54;
	v15 =	vmov v53;
	v4 =	vmov v27;
	v45 =	vmov v26;
	[tilespmem:s20], [sflag:$0x4] =	stream.linear.gather [hbm4b:s0+s3], $0xA0, $0x38;
	[tilespmem:$0x14600] =	vst v63  }
.LBB2_9:
0x113: {  	_ =	sfence.sel $0x180000  }
0x114: {  	[bflag:$0x0] =	sbarrier.arrive $0xFFFF  }
0x115: {  	_ =	strace $0x90000047  }
0x116: {  	s0 =	stileid.u32;
	[bflag:$0x2] =	sbarrier.arrive $0xFFFF  }
0x117: {  	p0 =	sne.s32 s0, $0x0;
	s0 =	rddreg [dreg:$0x2]  }
0x118: {  	s0 =	sadd.s32 @!p0 $0x100000, s0  }
0x119: {  	[sflag:s0] =	ssyncadd.tile.s32 @!p0 $0x1;
	_ =	shalt  }
.Lfunc_end2:
_tile_overlayer_lowered:
.L_overlay_start_2:
0x11a: {  	(tag) =	ssettag $0x2  }
0x11b: {  	s0 =	rddreg [dreg:$0x0];
	s2 =	stileid.u32  }
0x11c: {  	s1 =	rddreg [dreg:$0x1];
	p0 =	sne.s32 s2, $0x0  }
0x11d: {  	s3 =	rddreg [dreg:$0x2];
	[bflag:$0x3] =	sbarrier.arrive $0xFFFF;
	s2 =	simm.s32 @!p0 $0x1C08  }
0x11e: {  	[timem:s3], [sflag:s2] =	dma.local @!p0 [hbm:s0], s1  }
0x11f: {  	s0 =	simm.s32 @!p0 $0x8  }
0x120: {  	_ =	swait.ge @!p0 [sflag:s0], s1  }
0x121: {  	s1 =	ssub.s32 @!p0 $0x0, s1;
	[sflag:s0] =	ssyncset.done @!p0 $0x0  }
0x122: {  	[sflag:s0] =	ssyncadd.s32 @!p0 s1  }
0x123: {  	[bflag:$0x3] =	sbarrier.arrive $0xFFFF  }
0x124: {  	_ =	shalt  }

// kernel: sparse-core-data-format-call.cloned.1.call-start
scs
called_computation_lowered:
.L_overlay_start_0:
0x0: {  	s2 =	sld [smem:$0x3FD9]  }
0x1: {  	s3 =	sld [smem:$0x3FFE];
	_ =	sdelay $0x1  }
0x2: {  	s1 =	srdreg.scid  }
0x3: {  	s0 =	sand.u32 $0x1, s1  }
0x4: {  	s18 =	sshll.u32 s0, $0xA;
	s2 =	sadd.s32 s3, s2  }
0x5: {  	s2 =	sadd.s32 s2, s18  }
0x6: {  	[smem:$0x3FC4] =	sst s2  }
0x7: {  	_ = 	snop  }
0x8: {  	s2 =	sld [smem:$0x3FD0];
	(tm) =	ssettm $0x1  }
0x9: {  	s19 =	sld [smem:$0x3FFB];
	_ =	sdelay $0x3  }
0xa: {  	_ =	strace s19  }
0xb: {  	s3 =	sld [smem:$0x3FFC];
	_ =	sdelay $0x3  }
0xc: {  	_ =	strace s3  }
0xd: {  	s3 =	sld [smem:$0x3FFD];
	_ =	sdelay $0x3  }
0xe: {  	_ =	strace s3  }
0xf: {  	_ =	strace $0x8FFFFFFF  }
0x10: {  	s20 =	sld [smem:$0x3FDB];
	_ =	sdelay $0x1  }
0x11: {  	s4 =	simm.s32 $_scs_section_size  }
0x12: {  	s5 =	simm.s32 $_size__tile_overlayer_lowered;
	s6 =	simm.s32 $_tile_overlayer_lowered  }
0x13: {  	s23 =	simm.s32 $0x1BFF;
	s22 =	sshll.u32 s6, $0x1;
	s3 =	sadd.s32 s4, s20  }
0x14: {  	s7 =	simm.s32 $0x0;
	s21 =	sshll.u32 s5, $0x1;
	s5 =	sadd.s32 s22, s3  }
0x15: {  	[timem:s7], [sflag:s23] =	dma.local [hbm:s5], s21  }
0x16: {  	_ =	swait.ge [sflag:s23], s21  }
0x17: {  	s4 =	ssub.s32 $0x0, s21;
	[sflag:s23] =	ssyncset.done $0x0  }
0x18: {  	[sflag:s23] =	ssyncadd.s32 s4;
	_ =	sdelay $0x1  }
0x19: {  	s24 =	simm.s32 $0x1B8B  }
0x1a: {  	_ =	swait.ge [sflag:s24], $0x1  }
0x1b: {  	[sflag:s24] =	ssyncset.done $0x0  }
0x1c: {  	s26 =	simm.s32 $0x1B8E;
	s25 =	sld [smem:$0x3FFE];
	[sflag:s24] =	ssyncadd.s32 $0xFFFFFFFF  }
0x1d: {  	s27 =	simm.s32 $execute0_lowered;
	[smem:$0x3FD2] =	sst s26  }
0x1e: {  	s5 =	sshll.u32 s27, $0x1;
	_ =	strace $0x80000049;
	[dreg:$0x1] =	wrdreg $0xFFFFFFFF  }
0x1f: {  	s28 =	simm.s32 $_size_execute0_lowered;
	s3 =	sadd.s32 s3, s5;
	[dreg:$0x0] =	wrdreg $0x0  }
0x20: {  	s5 =	sshll.u32 s28, $0x1;
	[dreg:$0x2] =	wrdreg s3  }
0x21: {  	[dreg:$0x3] =	wrdreg s5  }
0x22: {  	[dreg:$0x4] =	wrdreg $0xC0  }
0x23: {  	_ =	task [dreg:s7], $0x5FFFF  }
0x24: {  	[dreg:$0x1] =	wrdreg $0xFFFFFFFF  }
0x25: {  	[dreg:$0x0] =	wrdreg $0x60  }
0x26: {  	[dreg:$0x2] =	wrdreg s25  }
0x27: {  	[dreg:$0x3] =	wrdreg s2  }
0x28: {  	[dreg:$0x4] =	wrdreg $0x9  }
0x29: {  	_ =	task.clear_ibuf [dreg:s7], $0x5FFFF;
	_ =	strace $0x90000049  }
0x2a: {  	s29 =	simm.s32 $0x9;
	_ =	strace $0x8000004B  }
0x2b: {  	_ =	swait.ge [sflag:s29], $0x1  }
0x2c: {  	[sflag:s29] =	ssyncadd.s32 $0xFFFFFFFF  }
0x2d: {  	_ =	strace $0x9000004B  }
0x2e: {  	_ =	sfence  }
0x2f: {  	s30 =	sld [smem:$0x0];
	_ =	sdelay $0x2  }
0x30: {  	s31 =	sshll.u32 s1, $0xD;
	s1 =	sshrl.u32 s1, $0x2  }
0x31: {  	s3 =	sand.u32 $0x4000, s31;
	s1 =	sadd.s32 s1, s30  }
0x32: {  	s0 =	sor.u32 s3, s0;
	s1 =	sshll.u32 s1, $0x11  }
0x33: {  	s0 =	sor.u32 s1, s0  }
0x34: {  	s0 =	sadd.s32 $0x8F2B, s0  }
0x35: {  	[sflag:s0] =	ssyncadd.remote.s32 $0x1  }
0x36: {  	_ =	sfence.sel $0xFFFF  }
0x37: {  	[dreg:$0x0] =	wrdreg $0xFFFFFFFF;
	(pc) =	sbr.abs _section_cstart, $3  }
0x38: {  	[dreg:$0x1] =	wrdreg $0xFFFFFFFF  }
0x39: {  	_ =	task.clear_ibuf [dreg:s7], $0x2FFFF;
	_ =	strace $0x9FFFFFFF  }
0x3a: {  	(tm) =	ssettm $0x7FFFFFFF  }
0x3b: {  	_ =	shalt  }
tec
execute0_lowered:
.L_overlay_start_1:
0x0: {  	(tag) =	ssettag $0x1  }
0x1: {  	s0 =	srdreg.scid  }
0x2: {  	s1 =	sshll.u32 s0, $0x4  }
0x3: {  	s0 =	stileid.u32;
	s1 =	sand.u32 $0x10, s1  }
0x4: {  	s1 =	sor.u32 s0, s1  }
0x5: {  	s6 =	rddreg [dreg:$0x0];
	s4 =	simm.s32 $0x1;
	s2 =	sshll.u32 s1, $0x6  }
0x6: {  	s7 =	simm.s32 $0x2;
	s13 =	simm.s32 $0x0;
	s1 =	ssub.s32 $0x1000, s2  }
0x7: {  	s8 =	simm.s32 $0x2000;
	s9 =	simm.s32 $0x80000;
	s3 =	sand.u32 $0x7C0, s1  }
0x8: {  	s14 =	simm.s32 $0x0;
	s5 =	sshrl.u32 s1, $0xB;
	p0 =	sne.s32 s3, $0x0  }
.Ltmp0:
0x9: {  	s1 =	rddreg [dreg:$0x2];
	s4 =	simm.s32 @!p0 $0x0;
	(pc) =	sbr.rel .LBB1_1-.Ltmp0, $4  }
0xa: {  	s10 =	simm.s32 $0x0;
	s3 =	rddreg [dreg:$0x1];
	s5 =	sadd.s32 s4, s5  }
0xb: {  	_ =	strace $0x8000004A;
	s4 =	simm.s32 $0x1;
	s5 =	smul.u32 $0x19, s5  }
0xc: {  	s12 =	simm.s32 $0x0;
	s6 =	sadd.s32 $0x327400, s6;
	[sflag:s4] =	ssyncpa.u1 $0x0  }
0xd: {  	s11 =	smov.u32 s2;
	[sflag:s7] =	ssyncpa.u1 $0x0;
	s7 =	sadd.s32 $0x1, s5  }
.LBB1_7:
0xe: {  	s15 =	sadd.s32 $0x2, s10  }
0xf: {  	s13 =	sadd.s32 $0x800, s11;
	s17 =	smov.u32 s11;
	p1 =	sgt.s32 s15, $0x31  }
0x10: {  	s17 =	smov.u32 @p1 s13  }
0x11: {  	s15 =	simm.s32 @p1 $0x0;
	p1 =	sgt.s32 s17, $0xFFF  }
0x12: {  	s17 =	smov.u32 @p1 s2;
	p1 =	sne.s32 s12, s7  }
.Ltmp1:
0x13: {  	p0 =	slt.u32 s12, $0x2;
	(pc) =	sbr.rel @!p1 .LBB1_8-.Ltmp1, $4  }
0x14: {  	s16 =	simm.s32 @!p0 $0x2  }
0x15: {  	s14 =	smov.u32 s11;
	_ =	swait.ge @!p0 [sflag:s16], $0x4000  }
0x16: {  	s13 =	smov.u32 s10;
	[sflag:s16] =	ssyncset.done @!p0 $0x0;
	s10 =	smov.u32 s15  }
0x17: {  	s12 =	sadd.s32 $0x1, s12;
	[sflag:s16] =	ssyncadd.s32 @!p0 $0xFFFFC000;
	s11 =	smov.u32 s17  }
.LBB1_1:
0x18: {  	p0 =	sge.u32 s12, s5  }
0x19: {  	s15 =	sand.u32 @!p0 $0x1FFFFFF, s10  }
0x1a: {  	s16 =	smulhi.u32 @!p0 $0x4924925, s15;
	_ =	sdelay $0x1  }
0x1b: {  	s16 =	smul.u32 @!p0 $0x38, s16  }
0x1c: {  	s17 =	sxor.u32 @!p0 $0xFFFFFFFF, s12;
	s18 =	smul.u32 @!p0 $0x380, s11  }
0x1d: {  	s31 =	sadd.s32 $0xFFFFFFFF, s12;
	s17 =	sshll.u32 @!p0 s17, $0xE;
	s15 =	ssub.s32 @!p0 s15, s16  }
0x1e: {  	s16 =	sand.u32 @!p0 $0x4000, s17;
	s17 =	sadd.s32 @!p0 s6, s18;
	s15 =	sshll.u32 @!p0 s15, $0x4  }
0x1f: {  	s18 =	simm.s32 @!p0 $0x1C00;
	s15 =	sadd.s32 @!p0 s15, s17;
	s17 =	simm.s32 @!p0 $0x100  }
0x20: {  	[tilespmem:s16], [sflag:$0x1] =	stream.strided.gather @!p0 [hbm4b:s15+s17], $0x4000, s18, s17, $0x38;
	[tilespmem:$0x10000] =	vst v63  }
0x21: {  	p0 =	sge.u32 s31, s5  }
.Ltmp2:
0x22: {  	_ = 	snop;
	(pc) =	sbr.rel @p0 .LBB1_7-.Ltmp2, $1  }
0x23: {  	_ =	sdelay $0x3  }
0x24: {  	_ =	swait.ge [sflag:s4], $0x4000;
	s15 =	sshll.u32 s12, $0xE  }
0x25: {  	[sflag:s4] =	ssyncset.done $0x0;
	s16 =	sand.u32 $0x4000, s15  }
0x26: {  	s17 =	simm.s32 $0x0;
	[sflag:s4] =	ssyncadd.s32 $0xFFFFC000;
	s15 =	sor.u32 $0x8000, s16  }
.LBB1_3:
0x27: {  	s18 =	sshll.u32 s17, $0x8  }
0x28: {  	s18 =	sand.u32 $0x3FFFFF00, s18  }
0x29: {  	s19 =	sshll.u32 s17, $0x7;
	s18 =	sadd.s32 s18, s16  }
0x2a: {  	s19 =	sand.u32 $0x3FFFFF80, s19;
	v0 =	vmov s18  }
0x2b: {  	s19 =	sadd.s32 s19, s15  }
0x2c: {  	p0 =	por $0x1, $0x1;
	v1 =	vmov s19;
	s18 =	simm.s32 $0x0  }
.LBB1_4:
0x2d: {  	s19 =	sshll.u32 s18, $0x7  }
0x2e: {  	s19 =	sand.u32 $0x3FFFFF80, s19  }
0x2f: {  	v2 =	vld.idx.msk [tilespmem:v0+s19+$0x0 ss:$0x1], $0xffff  }
0x30: {  	v3 =	vld.idx.msk [tilespmem:v0+s19+$0x10 ss:$0x1], $0xffff  }
0x31: {  	v4 =	vld.idx.msk [tilespmem:v0+s19+$0x20 ss:$0x1], $0xffff  }
0x32: {  	s31 =	sshll.u32 s18, $0xD;
	v5 =	vld.idx.msk [tilespmem:v0+s19+$0x30 ss:$0x1], $0xffff  }
0x33: {  	s18 =	sand.u32 $0x3FFFE000, s31;
	v6 =	vld.idx.msk [tilespmem:v0+s19+$0x40 ss:$0x1], $0xffff  }
0x34: {  	v63 =	vld.idx.msk [tilespmem:v0+s19+$0x70 ss:$0x1], $0xffff;
	[tilespmem:v1+s18+$0x0 ss:$0x1] =	vst.idx.msk $0xffff, v2  }
0x35: {  	v2 =	vld.idx.msk [tilespmem:v0+s19+$0x50 ss:$0x1], $0xffff;
	[tilespmem:v1+s18+$0x10 ss:$0x1] =	vst.idx.msk $0xffff, v3  }
0x36: {  	p1 =	por p0, p0;
	v3 =	vld.idx.msk [tilespmem:v0+s19+$0x60 ss:$0x1], $0xffff;
	[tilespmem:v1+s18+$0x20 ss:$0x1] =	vst.idx.msk $0xffff, v4  }
.Ltmp3:
0x37: {  	[tilespmem:v1+s18+$0x30 ss:$0x1] =	vst.idx.msk $0xffff, v5;
	(pc) =	sbr.rel @p1 .LBB1_4-.Ltmp3, $4  }
0x38: {  	[tilespmem:v1+s18+$0x40 ss:$0x1] =	vst.idx.msk $0xffff, v6  }
0x39: {  	[tilespmem:v1+s18+$0x70 ss:$0x1] =	vst.idx.msk $0xffff, v63  }
0x3a: {  	[tilespmem:v1+s18+$0x50 ss:$0x1] =	vst.idx.msk $0xffff, v2  }
0x3b: {  	p0 =	por $0x0, $0x0;
	[tilespmem:v1+s18+$0x60 ss:$0x1] =	vst.idx.msk $0xffff, v3;
	s18 =	simm.s32 $0x1  }
0x3c: {  	s17 =	sadd.s32 $0x1, s17  }
0x3d: {  	p0 =	sne.s32 s17, $0x40  }
.Ltmp4:
0x3e: {  	_ = 	snop;
	(pc) =	sbr.rel @p0 .LBB1_3-.Ltmp4, $1  }
0x3f: {  	_ =	sdelay $0x3  }
.Ltmp5:
0x40: {  	s14 =	sshll.u32 s14, $0x4;
	(pc) =	sbr.rel .LBB1_7-.Ltmp5, $4  }
0x41: {  	s14 =	sand.u32 $0xFFF0, s14  }
0x42: {  	s13 =	sshll.u32 s13, $0x10;
	s14 =	sadd.s32 s3, s14  }
0x43: {  	s13 =	sadd.s32 s13, s14  }
0x44: {  	[hbm4b:s13+s8] =	stream.strided.scatter [tilespmem:s15], [sflag:$0x2], $0x4000, s9, s8, $0x38;
	[tilespmem:$0x10000] =	vst v63  }
.LBB1_8:
0x45: {  	_ =	sfence.sel $0x180000  }
0x46: {  	s2 =	simm.s32 $0x1;
	[bflag:$0x0] =	sbarrier.arrive $0xFFFF  }
0x47: {  	s31 =	simm.s32 $0x2;
	[sflag:s2] =	ssyncpa.u1 $0x1  }
0x48: {  	[sflag:s31] =	ssyncpa.u1 $0x1  }
0x49: {  	p0 =	sne.s32 s0, $0x0;
	_ =	strace $0x9000004A  }
0x4a: {  	s0 =	sadd.s32 @!p0 $0x100000, s1;
	[bflag:$0x2] =	sbarrier.arrive $0xFFFF  }
0x4b: {  	[sflag:s0] =	ssyncadd.tile.s32 @!p0 $0x1;
	_ =	shalt  }
.Lfunc_end1:
_tile_overlayer_lowered:
.L_overlay_start_2:
0x4c: {  	(tag) =	ssettag $0x2  }
0x4d: {  	s0 =	rddreg [dreg:$0x0];
	s2 =	stileid.u32  }
0x4e: {  	s1 =	rddreg [dreg:$0x1];
	p0 =	sne.s32 s2, $0x0  }
0x4f: {  	s3 =	rddreg [dreg:$0x2];
	[bflag:$0x3] =	sbarrier.arrive $0xFFFF;
	s2 =	simm.s32 @!p0 $0x1C01  }
0x50: {  	[timem:s3], [sflag:s2] =	dma.local @!p0 [hbm:s0], s1  }
0x51: {  	s0 =	simm.s32 @!p0 $0x1  }
0x52: {  	_ =	swait.ge @!p0 [sflag:s0], s1  }
0x53: {  	s1 =	ssub.s32 @!p0 $0x0, s1;
	[sflag:s0] =	ssyncset.done @!p0 $0x0  }
0x54: {  	[sflag:s0] =	ssyncadd.s32 @!p0 s1  }
0x55: {  	[bflag:$0x3] =	sbarrier.arrive $0xFFFF  }
0x56: {  	_ =	shalt  }

</sc_bundles>
